<compile_context>
chip_gen: v7x
topology: tpu7x:2x2x1
jax: 0.10.2.dev20260603
libtpu: 0.0.44.dev20260713+nightly
codegen_flags: <defaults>
</compile_context>

<pallas_src>
import functools

import jax
import jax.numpy as jnp
from jax import lax
from jax.experimental import pallas as pl
from jax.experimental.pallas import tpu as pltpu
from jax.experimental.pallas import tpu_sc as plsc

V = 1_000_000
DIM = 64
N_CTX = 200
N_NEG = 12800
N_REAL = N_CTX + N_NEG
NC, NS = 2, 16
NW = NC * NS
IPW = 512
BTOT = NW * IPW
NCH = IPW // 128
NB = 16384
GRID = (V + NB - 1) // NB


def _mv_body(scal_ref, in_t_ref, out_t_ref, y_ref):
    tmod = scal_ref[1]
    onehot = (lax.broadcasted_iota(jnp.int32, (128, 1), 0) == tmod)
    t_col = lax.dot_general(in_t_ref[...], onehot.astype(jnp.float32),
                            (((1,), (0,)), ((), ())),
                            preferred_element_type=jnp.float32)
    s = lax.dot_general(t_col, out_t_ref[...], (((0,), (0,)), ((), ())),
                        preferred_element_type=jnp.float32)
    y_ref[...] = s.reshape((NB,))


def _matvec(in_t, out_t, scal):
    grid_spec = pltpu.PrefetchScalarGridSpec(
        num_scalar_prefetch=1,
        grid=(GRID,),
        in_specs=[
            pl.BlockSpec((DIM, 128), lambda i, s: (0, s[0])),
            pl.BlockSpec((DIM, NB), lambda i, s: (0, i)),
        ],
        out_specs=pl.BlockSpec((NB,), lambda i, s: (i,)),
    )
    return pl.pallas_call(
        _mv_body,
        grid_spec=grid_spec,
        out_shape=jax.ShapeDtypeStruct((GRID * NB,), jnp.float32),
        compiler_params=pltpu.CompilerParams(
            vmem_limit_bytes=50 * 1024 * 1024),
    )(scal, in_t, out_t)


def _sc_body(y_hbm, idx_hbm, sign_hbm, out_hbm, idx_v, sign_v, g_v, acc_v,
             sem):
    wid = lax.axis_index("s") * NC + lax.axis_index("c")
    d_idx = pltpu.async_copy(idx_hbm.at[wid], idx_v, sem)
    d_sgn = pltpu.async_copy(sign_hbm.at[wid], sign_v, sem)
    d_idx.wait()
    descs = [
        pltpu.async_copy(y_hbm.at[idx_v.at[k]],
                         g_v.at[pl.ds(k * 128, 128)], sem)
        for k in range(NCH)
    ]
    d_sgn.wait()
    for dsc in descs:
        dsc.wait()

    tot = jnp.zeros((16,), jnp.float32)
    for c in range(IPW // 16):
        sgn = sign_v[pl.ds(c * 16, 16)]
        z = g_v[pl.ds(c * 16, 16)] * sgn
        u = jnp.exp(-jnp.abs(z))
        y = u / (2.0 + u)
        y2 = y * y
        l1p = y * (2.0 + y2 * (2.0 / 3.0 + y2 * (2.0 / 5.0 + y2 * (
            2.0 / 7.0 + y2 * (2.0 / 9.0 + y2 * (2.0 / 11.0))))))
        contrib = jnp.minimum(z, 0.0) - l1p
        contrib = jnp.where(sgn == 0.0, 0.0, contrib)
        tot = tot + contrib
    acc_v[...] = tot
    pltpu.sync_copy(acc_v, out_hbm.at[pl.ds(wid * 16, 16)])


_sc_reduce = functools.partial(
    pl.kernel,
    mesh=plsc.VectorSubcoreMesh(core_axis_name="c", subcore_axis_name="s"),
    compiler_params=pltpu.CompilerParams(use_tc_tiling_on_sc=False),
    out_type=jax.ShapeDtypeStruct((NW * 16,), jnp.float32),
    scratch_types=[
        pltpu.VMEM((NCH, 128), jnp.int32),
        pltpu.VMEM((IPW,), jnp.float32),
        pltpu.VMEM((IPW,), jnp.float32),
        pltpu.VMEM((16,), jnp.float32),
        pltpu.SemaphoreType.DMA,
    ],
)(_sc_body)


def kernel(input_embeddings, output_embeddings, target, context,
           negative_samples):
    tgt = jnp.asarray(target, jnp.int32)
    scal = jnp.stack([tgt // 128, tgt % 128])
    y = _matvec(input_embeddings.T, output_embeddings.T, scal)

    idx = jnp.concatenate([
        context.astype(jnp.int32),
        negative_samples.reshape(-1).astype(jnp.int32),
        jnp.zeros((BTOT - N_REAL,), jnp.int32),
    ]).reshape(NW, NCH, 128)
    sign = jnp.concatenate([
        jnp.ones((N_CTX,), jnp.float32),
        jnp.full((N_NEG,), -1.0, jnp.float32),
        jnp.zeros((BTOT - N_REAL,), jnp.float32),
    ]).reshape(NW, IPW)

    partials = _sc_reduce(y, idx, sign)
    return -jnp.sum(partials)

# --- scband reference (transcript-rebuilt; emitter-appended) ---
"""Pipeline reference for scband-skip-gram-model-40364102647844 (READ-ONLY COPY).

The authoritative reference and input builder live on the scoring server;
editing this copy changes nothing except your own understanding.
"""

import jax, jax.numpy as jnp
import numpy as np

VOCAB = 1000000
DIM = 64
L = 200

def setup_inputs(seed: int = 0) -> dict:
    key = jax.random.key(seed)
    k1, k2, k3, k4 = jax.random.split(key, 4)
    context = jax.random.randint(k1, (L,), 0, VOCAB)
    negative_samples = jax.random.randint(k2, (L, DIM), 0, VOCAB)
    input_embeddings = jax.random.normal(k3, (VOCAB, DIM), dtype=jnp.float32) * 0.1
    output_embeddings = jax.random.normal(k4, (VOCAB, DIM), dtype=jnp.float32) * 0.1
    return {
        "input_embeddings": input_embeddings,
        "output_embeddings": output_embeddings,
        "target": 12345,
        "context": context,
        "negative_samples": negative_samples,
    }

def reference(input_embeddings, output_embeddings, target, context, negative_samples):
    # target_embedding = self.input_embeddings(torch.tensor([target]))  -> [1, d]
    target_embedding = input_embeddings[jnp.array([target])]
    # context_embeddings = self.output_embeddings(torch.tensor(context)) -> [L, d]
    context_embeddings = jnp.take(output_embeddings, context, axis=0)
    # scores = matmul(context_embeddings, target_embedding.t()).squeeze() -> [L]
    scores = jnp.matmul(context_embeddings, target_embedding.T).squeeze()
    log_probs = jnp.sum(jnp.log(jax.nn.sigmoid(scores)))
    # negative_samples has shape == context_embeddings.shape == [L, d] (faithful to torch.randint(..., context_embeddings.shape))
    # negative_context_embeddings -> [L, d, d]
    negative_context_embeddings = jnp.take(output_embeddings, negative_samples, axis=0)
    # matmul([L, d, d], [d, 1]).squeeze() -> [L, d]
    negative_scores = jnp.matmul(negative_context_embeddings, target_embedding.T).squeeze()
    negative_log_probs = jnp.sum(jnp.log(jax.nn.sigmoid(-negative_scores)))
    return -(log_probs + negative_log_probs)

if __name__ == "__main__":
    import jax
    _d = setup_inputs()
    print(jax.jit(kernel)(*tuple(_d.values())))

</pallas_src>

<mosaic_0001>
#map = affine_map<(d0, d1) -> (0)>
#map1 = affine_map<(d0, d1) -> (0, 0, 0)>
#map2 = affine_map<(d0, d1) -> (0, 0)>
module attributes {stable_mosaic.version = 14 : i64} {
  func.func @_sc_body(%arg0: i32, %arg1: i32, %arg2: memref<1015808xf32, #tpu.memory_space<hbm>>, %arg3: memref<32x4x128xi32, #tpu.memory_space<hbm>>, %arg4: memref<32x512xf32, #tpu.memory_space<hbm>>, %arg5: memref<512xf32, #tpu.memory_space<hbm>>, %arg6: memref<4x128xi32, #tpu.memory_space<vmem>>, %arg7: memref<512xf32, #tpu.memory_space<vmem>>, %arg8: memref<512xf32, #tpu.memory_space<vmem>>, %arg9: memref<16xf32, #tpu.memory_space<vmem>>, %arg10: memref<!tpu.dma_semaphore, #tpu.memory_space<semaphore_mem>>) attributes {dimension_semantics = [#tpu.dimension_semantics<core_parallel>, #tpu.dimension_semantics<subcore_parallel>], iteration_bounds = array<i64: 2, 16>, scalar_prefetch = 0 : i64, scratch_operands = 5 : i64, tpu.core_type = #tpu.core_type<sc_vector_subcore>, window_params = [{transform_indices = #map}, {transform_indices = #map1}, {transform_indices = #map2}, {transform_indices = #map}]} {
    %mul3A = arith.constant 2 : i32
    %mul3A_0 = arith.muli %arg1, %mul3A : i32
    %add3A = arith.addi %mul3A_0, %arg0 : i32
    %dma_start3A = arith.constant 0 : i32
    %dma_start3A_1 = arith.constant 0 : i32
    %dma_start3A_2 = tpu.memref_slice %arg3[%add3A, %dma_start3A, %dma_start3A_1] : memref<32x4x128xi32, #tpu.memory_space<hbm>> -> memref<1x4x128xi32, #tpu.memory_space<hbm>>
    %dma_start3A_3 = tpu.memref_squeeze %dma_start3A_2 : memref<1x4x128xi32, #tpu.memory_space<hbm>> -> memref<4x128xi32, #tpu.memory_space<hbm>>
    %dma_start3A_4 = arith.constant 0 : i32
    %dma_start3A_5 = arith.constant 0 : i32
    %dma_start3A_6 = tpu.memref_slice %arg3[%add3A, %dma_start3A_4, %dma_start3A_5] : memref<32x4x128xi32, #tpu.memory_space<hbm>> -> memref<1x4x128xi32, #tpu.memory_space<hbm>>
    %dma_start3A_7 = tpu.memref_squeeze %dma_start3A_6 : memref<1x4x128xi32, #tpu.memory_space<hbm>> -> memref<4x128xi32, #tpu.memory_space<hbm>>
    tpu.enqueue_dma source(%dma_start3A_7 : memref<4x128xi32, #tpu.memory_space<hbm>>) target(%arg6 : memref<4x128xi32, #tpu.memory_space<vmem>>) target_semaphore(%arg10 : memref<!tpu.dma_semaphore, #tpu.memory_space<semaphore_mem>>)
    %dma_start3A_8 = arith.constant 0 : i32
    %dma_start3A_9 = tpu.memref_slice %arg4[%add3A, %dma_start3A_8] : memref<32x512xf32, #tpu.memory_space<hbm>> -> memref<1x512xf32, #tpu.memory_space<hbm>>
    %dma_start3A_10 = tpu.memref_squeeze %dma_start3A_9 : memref<1x512xf32, #tpu.memory_space<hbm>> -> memref<512xf32, #tpu.memory_space<hbm>>
    %dma_start3A_11 = arith.constant 0 : i32
    %dma_start3A_12 = tpu.memref_slice %arg4[%add3A, %dma_start3A_11] : memref<32x512xf32, #tpu.memory_space<hbm>> -> memref<1x512xf32, #tpu.memory_space<hbm>>
    %dma_start3A_13 = tpu.memref_squeeze %dma_start3A_12 : memref<1x512xf32, #tpu.memory_space<hbm>> -> memref<512xf32, #tpu.memory_space<hbm>>
    tpu.enqueue_dma source(%dma_start3A_13 : memref<512xf32, #tpu.memory_space<hbm>>) target(%arg7 : memref<512xf32, #tpu.memory_space<vmem>>) target_semaphore(%arg10 : memref<!tpu.dma_semaphore, #tpu.memory_space<semaphore_mem>>)
    %dma_wait3A = arith.constant 0 : i32
    %dma_wait3A_14 = arith.constant 0 : i32
    %dma_wait3A_15 = tpu.memref_slice %arg3[%add3A, %dma_wait3A, %dma_wait3A_14] : memref<32x4x128xi32, #tpu.memory_space<hbm>> -> memref<1x4x128xi32, #tpu.memory_space<hbm>>
    %dma_wait3A_16 = tpu.memref_squeeze %dma_wait3A_15 : memref<1x4x128xi32, #tpu.memory_space<hbm>> -> memref<4x128xi32, #tpu.memory_space<hbm>>
    %dma_wait3A_17 = arith.constant 0 : i32
    %dma_wait3A_18 = arith.constant 0 : i32
    %dma_wait3A_19 = tpu.memref_slice %arg3[%add3A, %dma_wait3A_17, %dma_wait3A_18] : memref<32x4x128xi32, #tpu.memory_space<hbm>> -> memref<1x4x128xi32, #tpu.memory_space<hbm>>
    %dma_wait3A_20 = tpu.memref_squeeze %dma_wait3A_19 : memref<1x4x128xi32, #tpu.memory_space<hbm>> -> memref<4x128xi32, #tpu.memory_space<hbm>>
    tpu.wait_dma2 semaphore(%arg10 : memref<!tpu.dma_semaphore, #tpu.memory_space<semaphore_mem>>) src(%dma_wait3A_20 : memref<4x128xi32, #tpu.memory_space<hbm>>) dst(%arg6 : memref<4x128xi32, #tpu.memory_space<vmem>>)
    %dma_start3A_21 = arith.constant 0 : i32
    %dma_start3A_22 = arith.constant 0 : i32
    %dma_start3A_23 = tpu.memref_slice %arg8[%dma_start3A_22] : memref<512xf32, #tpu.memory_space<vmem>> -> memref<128xf32, #tpu.memory_space<vmem>>
    %dma_start3A_24 = arith.constant 0 : i32
    %dma_start3A_25 = tpu.memref_slice %arg6[%dma_start3A_21, %dma_start3A_24] : memref<4x128xi32, #tpu.memory_space<vmem>> -> memref<1x128xi32, #tpu.memory_space<vmem>>
    %dma_start3A_26 = tpu.memref_squeeze %dma_start3A_25 : memref<1x128xi32, #tpu.memory_space<vmem>> -> memref<128xi32, #tpu.memory_space<vmem>>
    %dma_start3A_27 = arith.constant 0 : i32
    %dma_start3A_28 = tpu.memref_slice %arg2[%dma_start3A_27] : memref<1015808xf32, #tpu.memory_space<hbm>> -> memref<1015808xf32, #tpu.memory_space<hbm>>
    tpu.enqueue_indirect_dma source(%dma_start3A_28 : memref<1015808xf32, #tpu.memory_space<hbm>>) target(%dma_start3A_23 : memref<128xf32, #tpu.memory_space<vmem>>) offsets(%dma_start3A_26 : memref<128xi32, #tpu.memory_space<vmem>>) semaphore(%arg10 : memref<!tpu.dma_semaphore, #tpu.memory_space<semaphore_mem>>)
    %dma_start3A_29 = arith.constant 1 : i32
    %dma_start3A_30 = arith.constant 128 : i32
    %dma_start3A_31 = tpu.memref_slice %arg8[%dma_start3A_30] : memref<512xf32, #tpu.memory_space<vmem>> -> memref<128xf32, #tpu.memory_space<vmem>>
    %dma_start3A_32 = arith.constant 0 : i32
    %dma_start3A_33 = tpu.memref_slice %arg6[%dma_start3A_29, %dma_start3A_32] : memref<4x128xi32, #tpu.memory_space<vmem>> -> memref<1x128xi32, #tpu.memory_space<vmem>>
    %dma_start3A_34 = tpu.memref_squeeze %dma_start3A_33 : memref<1x128xi32, #tpu.memory_space<vmem>> -> memref<128xi32, #tpu.memory_space<vmem>>
    %dma_start3A_35 = arith.constant 0 : i32
    %dma_start3A_36 = tpu.memref_slice %arg2[%dma_start3A_35] : memref<1015808xf32, #tpu.memory_space<hbm>> -> memref<1015808xf32, #tpu.memory_space<hbm>>
    tpu.enqueue_indirect_dma source(%dma_start3A_36 : memref<1015808xf32, #tpu.memory_space<hbm>>) target(%dma_start3A_31 : memref<128xf32, #tpu.memory_space<vmem>>) offsets(%dma_start3A_34 : memref<128xi32, #tpu.memory_space<vmem>>) semaphore(%arg10 : memref<!tpu.dma_semaphore, #tpu.memory_space<semaphore_mem>>)
    %dma_start3A_37 = arith.constant 2 : i32
    %dma_start3A_38 = arith.constant 256 : i32
    %dma_start3A_39 = tpu.memref_slice %arg8[%dma_start3A_38] : memref<512xf32, #tpu.memory_space<vmem>> -> memref<128xf32, #tpu.memory_space<vmem>>
    %dma_start3A_40 = arith.constant 0 : i32
    %dma_start3A_41 = tpu.memref_slice %arg6[%dma_start3A_37, %dma_start3A_40] : memref<4x128xi32, #tpu.memory_space<vmem>> -> memref<1x128xi32, #tpu.memory_space<vmem>>
    %dma_start3A_42 = tpu.memref_squeeze %dma_start3A_41 : memref<1x128xi32, #tpu.memory_space<vmem>> -> memref<128xi32, #tpu.memory_space<vmem>>
    %dma_start3A_43 = arith.constant 0 : i32
    %dma_start3A_44 = tpu.memref_slice %arg2[%dma_start3A_43] : memref<1015808xf32, #tpu.memory_space<hbm>> -> memref<1015808xf32, #tpu.memory_space<hbm>>
    tpu.enqueue_indirect_dma source(%dma_start3A_44 : memref<1015808xf32, #tpu.memory_space<hbm>>) target(%dma_start3A_39 : memref<128xf32, #tpu.memory_space<vmem>>) offsets(%dma_start3A_42 : memref<128xi32, #tpu.memory_space<vmem>>) semaphore(%arg10 : memref<!tpu.dma_semaphore, #tpu.memory_space<semaphore_mem>>)
    %dma_start3A_45 = arith.constant 3 : i32
    %dma_start3A_46 = arith.constant 384 : i32
    %dma_start3A_47 = tpu.memref_slice %arg8[%dma_start3A_46] : memref<512xf32, #tpu.memory_space<vmem>> -> memref<128xf32, #tpu.memory_space<vmem>>
    %dma_start3A_48 = arith.constant 0 : i32
    %dma_start3A_49 = tpu.memref_slice %arg6[%dma_start3A_45, %dma_start3A_48] : memref<4x128xi32, #tpu.memory_space<vmem>> -> memref<1x128xi32, #tpu.memory_space<vmem>>
    %dma_start3A_50 = tpu.memref_squeeze %dma_start3A_49 : memref<1x128xi32, #tpu.memory_space<vmem>> -> memref<128xi32, #tpu.memory_space<vmem>>
    %dma_start3A_51 = arith.constant 0 : i32
    %dma_start3A_52 = tpu.memref_slice %arg2[%dma_start3A_51] : memref<1015808xf32, #tpu.memory_space<hbm>> -> memref<1015808xf32, #tpu.memory_space<hbm>>
    tpu.enqueue_indirect_dma source(%dma_start3A_52 : memref<1015808xf32, #tpu.memory_space<hbm>>) target(%dma_start3A_47 : memref<128xf32, #tpu.memory_space<vmem>>) offsets(%dma_start3A_50 : memref<128xi32, #tpu.memory_space<vmem>>) semaphore(%arg10 : memref<!tpu.dma_semaphore, #tpu.memory_space<semaphore_mem>>)
    %dma_wait3A_53 = arith.constant 0 : i32
    %dma_wait3A_54 = tpu.memref_slice %arg4[%add3A, %dma_wait3A_53] : memref<32x512xf32, #tpu.memory_space<hbm>> -> memref<1x512xf32, #tpu.memory_space<hbm>>
    %dma_wait3A_55 = tpu.memref_squeeze %dma_wait3A_54 : memref<1x512xf32, #tpu.memory_space<hbm>> -> memref<512xf32, #tpu.memory_space<hbm>>
    %dma_wait3A_56 = arith.constant 0 : i32
    %dma_wait3A_57 = tpu.memref_slice %arg4[%add3A, %dma_wait3A_56] : memref<32x512xf32, #tpu.memory_space<hbm>> -> memref<1x512xf32, #tpu.memory_space<hbm>>
    %dma_wait3A_58 = tpu.memref_squeeze %dma_wait3A_57 : memref<1x512xf32, #tpu.memory_space<hbm>> -> memref<512xf32, #tpu.memory_space<hbm>>
    tpu.wait_dma2 semaphore(%arg10 : memref<!tpu.dma_semaphore, #tpu.memory_space<semaphore_mem>>) src(%dma_wait3A_58 : memref<512xf32, #tpu.memory_space<hbm>>) dst(%arg7 : memref<512xf32, #tpu.memory_space<vmem>>)
    %dma_wait3A_59 = arith.constant 0 : i32
    %dma_wait3A_60 = arith.constant 0 : i32
    %dma_wait3A_61 = tpu.memref_slice %arg8[%dma_wait3A_60] : memref<512xf32, #tpu.memory_space<vmem>> -> memref<128xf32, #tpu.memory_space<vmem>>
    %dma_wait3A_62 = arith.constant 0 : i32
    %dma_wait3A_63 = tpu.memref_slice %arg6[%dma_wait3A_59, %dma_wait3A_62] : memref<4x128xi32, #tpu.memory_space<vmem>> -> memref<1x128xi32, #tpu.memory_space<vmem>>
    %dma_wait3A_64 = tpu.memref_squeeze %dma_wait3A_63 : memref<1x128xi32, #tpu.memory_space<vmem>> -> memref<128xi32, #tpu.memory_space<vmem>>
    %dma_wait3A_65 = arith.constant 0 : i32
    %dma_wait3A_66 = tpu.memref_slice %arg2[%dma_wait3A_65] : memref<1015808xf32, #tpu.memory_space<hbm>> -> memref<1015808xf32, #tpu.memory_space<hbm>>
    tpu.wait_indirect_dma semaphore(%arg10 : memref<!tpu.dma_semaphore, #tpu.memory_space<semaphore_mem>>) src(%dma_wait3A_66 : memref<1015808xf32, #tpu.memory_space<hbm>>) dst(%dma_wait3A_61 : memref<128xf32, #tpu.memory_space<vmem>>)
    %dma_wait3A_67 = arith.constant 1 : i32
    %dma_wait3A_68 = arith.constant 128 : i32
    %dma_wait3A_69 = tpu.memref_slice %arg8[%dma_wait3A_68] : memref<512xf32, #tpu.memory_space<vmem>> -> memref<128xf32, #tpu.memory_space<vmem>>
    %dma_wait3A_70 = arith.constant 0 : i32
    %dma_wait3A_71 = tpu.memref_slice %arg6[%dma_wait3A_67, %dma_wait3A_70] : memref<4x128xi32, #tpu.memory_space<vmem>> -> memref<1x128xi32, #tpu.memory_space<vmem>>
    %dma_wait3A_72 = tpu.memref_squeeze %dma_wait3A_71 : memref<1x128xi32, #tpu.memory_space<vmem>> -> memref<128xi32, #tpu.memory_space<vmem>>
    %dma_wait3A_73 = arith.constant 0 : i32
    %dma_wait3A_74 = tpu.memref_slice %arg2[%dma_wait3A_73] : memref<1015808xf32, #tpu.memory_space<hbm>> -> memref<1015808xf32, #tpu.memory_space<hbm>>
    tpu.wait_indirect_dma semaphore(%arg10 : memref<!tpu.dma_semaphore, #tpu.memory_space<semaphore_mem>>) src(%dma_wait3A_74 : memref<1015808xf32, #tpu.memory_space<hbm>>) dst(%dma_wait3A_69 : memref<128xf32, #tpu.memory_space<vmem>>)
    %dma_wait3A_75 = arith.constant 2 : i32
    %dma_wait3A_76 = arith.constant 256 : i32
    %dma_wait3A_77 = tpu.memref_slice %arg8[%dma_wait3A_76] : memref<512xf32, #tpu.memory_space<vmem>> -> memref<128xf32, #tpu.memory_space<vmem>>
    %dma_wait3A_78 = arith.constant 0 : i32
    %dma_wait3A_79 = tpu.memref_slice %arg6[%dma_wait3A_75, %dma_wait3A_78] : memref<4x128xi32, #tpu.memory_space<vmem>> -> memref<1x128xi32, #tpu.memory_space<vmem>>
    %dma_wait3A_80 = tpu.memref_squeeze %dma_wait3A_79 : memref<1x128xi32, #tpu.memory_space<vmem>> -> memref<128xi32, #tpu.memory_space<vmem>>
    %dma_wait3A_81 = arith.constant 0 : i32
    %dma_wait3A_82 = tpu.memref_slice %arg2[%dma_wait3A_81] : memref<1015808xf32, #tpu.memory_space<hbm>> -> memref<1015808xf32, #tpu.memory_space<hbm>>
    tpu.wait_indirect_dma semaphore(%arg10 : memref<!tpu.dma_semaphore, #tpu.memory_space<semaphore_mem>>) src(%dma_wait3A_82 : memref<1015808xf32, #tpu.memory_space<hbm>>) dst(%dma_wait3A_77 : memref<128xf32, #tpu.memory_space<vmem>>)
    %dma_wait3A_83 = arith.constant 3 : i32
    %dma_wait3A_84 = arith.constant 384 : i32
    %dma_wait3A_85 = tpu.memref_slice %arg8[%dma_wait3A_84] : memref<512xf32, #tpu.memory_space<vmem>> -> memref<128xf32, #tpu.memory_space<vmem>>
    %dma_wait3A_86 = arith.constant 0 : i32
    %dma_wait3A_87 = tpu.memref_slice %arg6[%dma_wait3A_83, %dma_wait3A_86] : memref<4x128xi32, #tpu.memory_space<vmem>> -> memref<1x128xi32, #tpu.memory_space<vmem>>
    %dma_wait3A_88 = tpu.memref_squeeze %dma_wait3A_87 : memref<1x128xi32, #tpu.memory_space<vmem>> -> memref<128xi32, #tpu.memory_space<vmem>>
    %dma_wait3A_89 = arith.constant 0 : i32
    %dma_wait3A_90 = tpu.memref_slice %arg2[%dma_wait3A_89] : memref<1015808xf32, #tpu.memory_space<hbm>> -> memref<1015808xf32, #tpu.memory_space<hbm>>
    tpu.wait_indirect_dma semaphore(%arg10 : memref<!tpu.dma_semaphore, #tpu.memory_space<semaphore_mem>>) src(%dma_wait3A_90 : memref<1015808xf32, #tpu.memory_space<hbm>>) dst(%dma_wait3A_85 : memref<128xf32, #tpu.memory_space<vmem>>)
    %broadcast_in_dim3A = arith.constant 0.000000e+00 : f32
    %broadcast_in_dim3A_91 = vector.broadcast %broadcast_in_dim3A : f32 to vector<16xf32>
    %get3A = arith.constant 0 : index
    %get3A_92 = tpu.vector_load %arg7[%get3A] {strides = array<i32>} : memref<512xf32, #tpu.memory_space<vmem>>, vector<16xf32>,
    %get3A_93 = vector.shape_cast %get3A_92 : vector<16xf32> to vector<16xf32>
    %get3A_94 = arith.constant 0 : index
    %get3A_95 = tpu.vector_load %arg8[%get3A_94] {strides = array<i32>} : memref<512xf32, #tpu.memory_space<vmem>>, vector<16xf32>,
    %get3A_96 = vector.shape_cast %get3A_95 : vector<16xf32> to vector<16xf32>
    %mul3A_97 = arith.mulf %get3A_96, %get3A_93 : vector<16xf32>
    %abs3A = math.absf %mul3A_97 : vector<16xf32>
    %neg3A = arith.constant 0.000000e+00 : f32
    %neg3A_98 = vector.broadcast %neg3A : f32 to vector<16xf32>
    %neg3A_99 = arith.subf %neg3A_98, %abs3A : vector<16xf32>
    %exp3A = math.exp %neg3A_99 : vector<16xf32>
    %add3A_100 = arith.constant 2.000000e+00 : f32
    %add3A_101 = vector.broadcast %add3A_100 : f32 to vector<16xf32>
    %add3A_102 = arith.addf %add3A_101, %exp3A : vector<16xf32>
    %div3A = arith.divf %exp3A, %add3A_102 : vector<16xf32>
    %mul3A_103 = arith.mulf %div3A, %div3A : vector<16xf32>
    %mul3A_104 = arith.constant 0.181818187 : f32
    %mul3A_105 = vector.broadcast %mul3A_104 : f32 to vector<16xf32>
    %mul3A_106 = arith.mulf %mul3A_103, %mul3A_105 : vector<16xf32>
    %add3A_107 = arith.constant 0.222222224 : f32
    %add3A_108 = vector.broadcast %add3A_107 : f32 to vector<16xf32>
    %add3A_109 = arith.addf %add3A_108, %mul3A_106 : vector<16xf32>
    %mul3A_110 = arith.mulf %mul3A_103, %add3A_109 : vector<16xf32>
    %add3A_111 = arith.constant 0.285714298 : f32
    %add3A_112 = vector.broadcast %add3A_111 : f32 to vector<16xf32>
    %add3A_113 = arith.addf %add3A_112, %mul3A_110 : vector<16xf32>
    %mul3A_114 = arith.mulf %mul3A_103, %add3A_113 : vector<16xf32>
    %add3A_115 = arith.constant 4.000000e-01 : f32
    %add3A_116 = vector.broadcast %add3A_115 : f32 to vector<16xf32>
    %add3A_117 = arith.addf %add3A_116, %mul3A_114 : vector<16xf32>
    %mul3A_118 = arith.mulf %mul3A_103, %add3A_117 : vector<16xf32>
    %add3A_119 = arith.constant 0.666666686 : f32
    %add3A_120 = vector.broadcast %add3A_119 : f32 to vector<16xf32>
    %add3A_121 = arith.addf %add3A_120, %mul3A_118 : vector<16xf32>
    %mul3A_122 = arith.mulf %mul3A_103, %add3A_121 : vector<16xf32>
    %add3A_123 = arith.constant 2.000000e+00 : f32
    %add3A_124 = vector.broadcast %add3A_123 : f32 to vector<16xf32>
    %add3A_125 = arith.addf %add3A_124, %mul3A_122 : vector<16xf32>
    %mul3A_126 = arith.mulf %div3A, %add3A_125 : vector<16xf32>
    %min3A = arith.constant 0.000000e+00 : f32
    %min3A_127 = vector.broadcast %min3A : f32 to vector<16xf32>
    %min3A_128 = arith.minimumf %mul3A_97, %min3A_127 : vector<16xf32>
    %sub3A = arith.subf %min3A_128, %mul3A_126 : vector<16xf32>
    %eq3A = arith.constant 0.000000e+00 : f32
    %eq3A_129 = vector.broadcast %eq3A : f32 to vector<16xf32>
    %eq3A_130 = arith.cmpf oeq, %get3A_93, %eq3A_129 : vector<16xf32>
    %jit3A = arith.constant 0.000000e+00 : f32
    %broadcast_in_dim3A_131 = vector.broadcast %jit3A : f32 to vector<16xf32>
    %select_n3A = arith.select %eq3A_130, %broadcast_in_dim3A_131, %sub3A : vector<16xi1>, vector<16xf32>
    %add3A_132 = arith.addf %broadcast_in_dim3A_91, %select_n3A : vector<16xf32>
    %get3A_133 = arith.constant 16 : index
    %get3A_134 = tpu.vector_load %arg7[%get3A_133] {strides = array<i32>} : memref<512xf32, #tpu.memory_space<vmem>>, vector<16xf32>,
    %get3A_135 = vector.shape_cast %get3A_134 : vector<16xf32> to vector<16xf32>
    %get3A_136 = arith.constant 16 : index
    %get3A_137 = tpu.vector_load %arg8[%get3A_136] {strides = array<i32>} : memref<512xf32, #tpu.memory_space<vmem>>, vector<16xf32>,
    %get3A_138 = vector.shape_cast %get3A_137 : vector<16xf32> to vector<16xf32>
    %mul3A_139 = arith.mulf %get3A_138, %get3A_135 : vector<16xf32>
    %abs3A_140 = math.absf %mul3A_139 : vector<16xf32>
    %neg3A_141 = arith.constant 0.000000e+00 : f32
    %neg3A_142 = vector.broadcast %neg3A_141 : f32 to vector<16xf32>
    %neg3A_143 = arith.subf %neg3A_142, %abs3A_140 : vector<16xf32>
    %exp3A_144 = math.exp %neg3A_143 : vector<16xf32>
    %add3A_145 = arith.constant 2.000000e+00 : f32
    %add3A_146 = vector.broadcast %add3A_145 : f32 to vector<16xf32>
    %add3A_147 = arith.addf %add3A_146, %exp3A_144 : vector<16xf32>
    %div3A_148 = arith.divf %exp3A_144, %add3A_147 : vector<16xf32>
    %mul3A_149 = arith.mulf %div3A_148, %div3A_148 : vector<16xf32>
    %mul3A_150 = arith.constant 0.181818187 : f32
    %mul3A_151 = vector.broadcast %mul3A_150 : f32 to vector<16xf32>
    %mul3A_152 = arith.mulf %mul3A_149, %mul3A_151 : vector<16xf32>
    %add3A_153 = arith.constant 0.222222224 : f32
    %add3A_154 = vector.broadcast %add3A_153 : f32 to vector<16xf32>
    %add3A_155 = arith.addf %add3A_154, %mul3A_152 : vector<16xf32>
    %mul3A_156 = arith.mulf %mul3A_149, %add3A_155 : vector<16xf32>
    %add3A_157 = arith.constant 0.285714298 : f32
    %add3A_158 = vector.broadcast %add3A_157 : f32 to vector<16xf32>
    %add3A_159 = arith.addf %add3A_158, %mul3A_156 : vector<16xf32>
    %mul3A_160 = arith.mulf %mul3A_149, %add3A_159 : vector<16xf32>
    %add3A_161 = arith.constant 4.000000e-01 : f32
    %add3A_162 = vector.broadcast %add3A_161 : f32 to vector<16xf32>
    %add3A_163 = arith.addf %add3A_162, %mul3A_160 : vector<16xf32>
    %mul3A_164 = arith.mulf %mul3A_149, %add3A_163 : vector<16xf32>
    %add3A_165 = arith.constant 0.666666686 : f32
    %add3A_166 = vector.broadcast %add3A_165 : f32 to vector<16xf32>
    %add3A_167 = arith.addf %add3A_166, %mul3A_164 : vector<16xf32>
    %mul3A_168 = arith.mulf %mul3A_149, %add3A_167 : vector<16xf32>
    %add3A_169 = arith.constant 2.000000e+00 : f32
    %add3A_170 = vector.broadcast %add3A_169 : f32 to vector<16xf32>
    %add3A_171 = arith.addf %add3A_170, %mul3A_168 : vector<16xf32>
    %mul3A_172 = arith.mulf %div3A_148, %add3A_171 : vector<16xf32>
    %min3A_173 = arith.constant 0.000000e+00 : f32
    %min3A_174 = vector.broadcast %min3A_173 : f32 to vector<16xf32>
    %min3A_175 = arith.minimumf %mul3A_139, %min3A_174 : vector<16xf32>
    %sub3A_176 = arith.subf %min3A_175, %mul3A_172 : vector<16xf32>
    %eq3A_177 = arith.constant 0.000000e+00 : f32
    %eq3A_178 = vector.broadcast %eq3A_177 : f32 to vector<16xf32>
    %eq3A_179 = arith.cmpf oeq, %get3A_135, %eq3A_178 : vector<16xf32>
    %jit3A_180 = arith.constant 0.000000e+00 : f32
    %broadcast_in_dim3A_181 = vector.broadcast %jit3A_180 : f32 to vector<16xf32>
    %select_n3A_182 = arith.select %eq3A_179, %broadcast_in_dim3A_181, %sub3A_176 : vector<16xi1>, vector<16xf32>
    %add3A_183 = arith.addf %add3A_132, %select_n3A_182 : vector<16xf32>
    %get3A_184 = arith.constant 32 : index
    %get3A_185 = tpu.vector_load %arg7[%get3A_184] {strides = array<i32>} : memref<512xf32, #tpu.memory_space<vmem>>, vector<16xf32>,
    %get3A_186 = vector.shape_cast %get3A_185 : vector<16xf32> to vector<16xf32>
    %get3A_187 = arith.constant 32 : index
    %get3A_188 = tpu.vector_load %arg8[%get3A_187] {strides = array<i32>} : memref<512xf32, #tpu.memory_space<vmem>>, vector<16xf32>,
    %get3A_189 = vector.shape_cast %get3A_188 : vector<16xf32> to vector<16xf32>
    %mul3A_190 = arith.mulf %get3A_189, %get3A_186 : vector<16xf32>
    %abs3A_191 = math.absf %mul3A_190 : vector<16xf32>
    %neg3A_192 = arith.constant 0.000000e+00 : f32
    %neg3A_193 = vector.broadcast %neg3A_192 : f32 to vector<16xf32>
    %neg3A_194 = arith.subf %neg3A_193, %abs3A_191 : vector<16xf32>
    %exp3A_195 = math.exp %neg3A_194 : vector<16xf32>
    %add3A_196 = arith.constant 2.000000e+00 : f32
    %add3A_197 = vector.broadcast %add3A_196 : f32 to vector<16xf32>
    %add3A_198 = arith.addf %add3A_197, %exp3A_195 : vector<16xf32>
    %div3A_199 = arith.divf %exp3A_195, %add3A_198 : vector<16xf32>
    %mul3A_200 = arith.mulf %div3A_199, %div3A_199 : vector<16xf32>
    %mul3A_201 = arith.constant 0.181818187 : f32
    %mul3A_202 = vector.broadcast %mul3A_201 : f32 to vector<16xf32>
    %mul3A_203 = arith.mulf %mul3A_200, %mul3A_202 : vector<16xf32>
    %add3A_204 = arith.constant 0.222222224 : f32
    %add3A_205 = vector.broadcast %add3A_204 : f32 to vector<16xf32>
    %add3A_206 = arith.addf %add3A_205, %mul3A_203 : vector<16xf32>
    %mul3A_207 = arith.mulf %mul3A_200, %add3A_206 : vector<16xf32>
    %add3A_208 = arith.constant 0.285714298 : f32
    %add3A_209 = vector.broadcast %add3A_208 : f32 to vector<16xf32>
    %add3A_210 = arith.addf %add3A_209, %mul3A_207 : vector<16xf32>
    %mul3A_211 = arith.mulf %mul3A_200, %add3A_210 : vector<16xf32>
    %add3A_212 = arith.constant 4.000000e-01 : f32
    %add3A_213 = vector.broadcast %add3A_212 : f32 to vector<16xf32>
    %add3A_214 = arith.addf %add3A_213, %mul3A_211 : vector<16xf32>
    %mul3A_215 = arith.mulf %mul3A_200, %add3A_214 : vector<16xf32>
    %add3A_216 = arith.constant 0.666666686 : f32
    %add3A_217 = vector.broadcast %add3A_216 : f32 to vector<16xf32>
    %add3A_218 = arith.addf %add3A_217, %mul3A_215 : vector<16xf32>
    %mul3A_219 = arith.mulf %mul3A_200, %add3A_218 : vector<16xf32>
    %add3A_220 = arith.constant 2.000000e+00 : f32
    %add3A_221 = vector.broadcast %add3A_220 : f32 to vector<16xf32>
    %add3A_222 = arith.addf %add3A_221, %mul3A_219 : vector<16xf32>
    %mul3A_223 = arith.mulf %div3A_199, %add3A_222 : vector<16xf32>
    %min3A_224 = arith.constant 0.000000e+00 : f32
    %min3A_225 = vector.broadcast %min3A_224 : f32 to vector<16xf32>
    %min3A_226 = arith.minimumf %mul3A_190, %min3A_225 : vector<16xf32>
    %sub3A_227 = arith.subf %min3A_226, %mul3A_223 : vector<16xf32>
    %eq3A_228 = arith.constant 0.000000e+00 : f32
    %eq3A_229 = vector.broadcast %eq3A_228 : f32 to vector<16xf32>
    %eq3A_230 = arith.cmpf oeq, %get3A_186, %eq3A_229 : vector<16xf32>
    %jit3A_231 = arith.constant 0.000000e+00 : f32
    %broadcast_in_dim3A_232 = vector.broadcast %jit3A_231 : f32 to vector<16xf32>
    %select_n3A_233 = arith.select %eq3A_230, %broadcast_in_dim3A_232, %sub3A_227 : vector<16xi1>, vector<16xf32>
    %add3A_234 = arith.addf %add3A_183, %select_n3A_233 : vector<16xf32>
    %get3A_235 = arith.constant 48 : index
    %get3A_236 = tpu.vector_load %arg7[%get3A_235] {strides = array<i32>} : memref<512xf32, #tpu.memory_space<vmem>>, vector<16xf32>,
    %get3A_237 = vector.shape_cast %get3A_236 : vector<16xf32> to vector<16xf32>
    %get3A_238 = arith.constant 48 : index
    %get3A_239 = tpu.vector_load %arg8[%get3A_238] {strides = array<i32>} : memref<512xf32, #tpu.memory_space<vmem>>, vector<16xf32>,
    %get3A_240 = vector.shape_cast %get3A_239 : vector<16xf32> to vector<16xf32>
    %mul3A_241 = arith.mulf %get3A_240, %get3A_237 : vector<16xf32>
    %abs3A_242 = math.absf %mul3A_241 : vector<16xf32>
    %neg3A_243 = arith.constant 0.000000e+00 : f32
    %neg3A_244 = vector.broadcast %neg3A_243 : f32 to vector<16xf32>
    %neg3A_245 = arith.subf %neg3A_244, %abs3A_242 : vector<16xf32>
    %exp3A_246 = math.exp %neg3A_245 : vector<16xf32>
    %add3A_247 = arith.constant 2.000000e+00 : f32
    %add3A_248 = vector.broadcast %add3A_247 : f32 to vector<16xf32>
    %add3A_249 = arith.addf %add3A_248, %exp3A_246 : vector<16xf32>
    %div3A_250 = arith.divf %exp3A_246, %add3A_249 : vector<16xf32>
    %mul3A_251 = arith.mulf %div3A_250, %div3A_250 : vector<16xf32>
    %mul3A_252 = arith.constant 0.181818187 : f32
    %mul3A_253 = vector.broadcast %mul3A_252 : f32 to vector<16xf32>
    %mul3A_254 = arith.mulf %mul3A_251, %mul3A_253 : vector<16xf32>
    %add3A_255 = arith.constant 0.222222224 : f32
    %add3A_256 = vector.broadcast %add3A_255 : f32 to vector<16xf32>
    %add3A_257 = arith.addf %add3A_256, %mul3A_254 : vector<16xf32>
    %mul3A_258 = arith.mulf %mul3A_251, %add3A_257 : vector<16xf32>
    %add3A_259 = arith.constant 0.285714298 : f32
    %add3A_260 = vector.broadcast %add3A_259 : f32 to vector<16xf32>
    %add3A_261 = arith.addf %add3A_260, %mul3A_258 : vector<16xf32>
    %mul3A_262 = arith.mulf %mul3A_251, %add3A_261 : vector<16xf32>
    %add3A_263 = arith.constant 4.000000e-01 : f32
    %add3A_264 = vector.broadcast %add3A_263 : f32 to vector<16xf32>
    %add3A_265 = arith.addf %add3A_264, %mul3A_262 : vector<16xf32>
    %mul3A_266 = arith.mulf %mul3A_251, %add3A_265 : vector<16xf32>
    %add3A_267 = arith.constant 0.666666686 : f32
    %add3A_268 = vector.broadcast %add3A_267 : f32 to vector<16xf32>
    %add3A_269 = arith.addf %add3A_268, %mul3A_266 : vector<16xf32>
    %mul3A_270 = arith.mulf %mul3A_251, %add3A_269 : vector<16xf32>
    %add3A_271 = arith.constant 2.000000e+00 : f32
    %add3A_272 = vector.broadcast %add3A_271 : f32 to vector<16xf32>
    %add3A_273 = arith.addf %add3A_272, %mul3A_270 : vector<16xf32>
    %mul3A_274 = arith.mulf %div3A_250, %add3A_273 : vector<16xf32>
    %min3A_275 = arith.constant 0.000000e+00 : f32
    %min3A_276 = vector.broadcast %min3A_275 : f32 to vector<16xf32>
    %min3A_277 = arith.minimumf %mul3A_241, %min3A_276 : vector<16xf32>
    %sub3A_278 = arith.subf %min3A_277, %mul3A_274 : vector<16xf32>
    %eq3A_279 = arith.constant 0.000000e+00 : f32
    %eq3A_280 = vector.broadcast %eq3A_279 : f32 to vector<16xf32>
    %eq3A_281 = arith.cmpf oeq, %get3A_237, %eq3A_280 : vector<16xf32>
    %jit3A_282 = arith.constant 0.000000e+00 : f32
    %broadcast_in_dim3A_283 = vector.broadcast %jit3A_282 : f32 to vector<16xf32>
    %select_n3A_284 = arith.select %eq3A_281, %broadcast_in_dim3A_283, %sub3A_278 : vector<16xi1>, vector<16xf32>
    %add3A_285 = arith.addf %add3A_234, %select_n3A_284 : vector<16xf32>
    %get3A_286 = arith.constant 64 : index
    %get3A_287 = tpu.vector_load %arg7[%get3A_286] {strides = array<i32>} : memref<512xf32, #tpu.memory_space<vmem>>, vector<16xf32>,
    %get3A_288 = vector.shape_cast %get3A_287 : vector<16xf32> to vector<16xf32>
    %get3A_289 = arith.constant 64 : index
    %get3A_290 = tpu.vector_load %arg8[%get3A_289] {strides = array<i32>} : memref<512xf32, #tpu.memory_space<vmem>>, vector<16xf32>,
    %get3A_291 = vector.shape_cast %get3A_290 : vector<16xf32> to vector<16xf32>
    %mul3A_292 = arith.mulf %get3A_291, %get3A_288 : vector<16xf32>
    %abs3A_293 = math.absf %mul3A_292 : vector<16xf32>
    %neg3A_294 = arith.constant 0.000000e+00 : f32
    %neg3A_295 = vector.broadcast %neg3A_294 : f32 to vector<16xf32>
    %neg3A_296 = arith.subf %neg3A_295, %abs3A_293 : vector<16xf32>
    %exp3A_297 = math.exp %neg3A_296 : vector<16xf32>
    %add3A_298 = arith.constant 2.000000e+00 : f32
    %add3A_299 = vector.broadcast %add3A_298 : f32 to vector<16xf32>
    %add3A_300 = arith.addf %add3A_299, %exp3A_297 : vector<16xf32>
    %div3A_301 = arith.divf %exp3A_297, %add3A_300 : vector<16xf32>
    %mul3A_302 = arith.mulf %div3A_301, %div3A_301 : vector<16xf32>
    %mul3A_303 = arith.constant 0.181818187 : f32
    %mul3A_304 = vector.broadcast %mul3A_303 : f32 to vector<16xf32>
    %mul3A_305 = arith.mulf %mul3A_302, %mul3A_304 : vector<16xf32>
    %add3A_306 = arith.constant 0.222222224 : f32
    %add3A_307 = vector.broadcast %add3A_306 : f32 to vector<16xf32>
    %add3A_308 = arith.addf %add3A_307, %mul3A_305 : vector<16xf32>
    %mul3A_309 = arith.mulf %mul3A_302, %add3A_308 : vector<16xf32>
    %add3A_310 = arith.constant 0.285714298 : f32
    %add3A_311 = vector.broadcast %add3A_310 : f32 to vector<16xf32>
    %add3A_312 = arith.addf %add3A_311, %mul3A_309 : vector<16xf32>
    %mul3A_313 = arith.mulf %mul3A_302, %add3A_312 : vector<16xf32>
    %add3A_314 = arith.constant 4.000000e-01 : f32
    %add3A_315 = vector.broadcast %add3A_314 : f32 to vector<16xf32>
    %add3A_316 = arith.addf %add3A_315, %mul3A_313 : vector<16xf32>
    %mul3A_317 = arith.mulf %mul3A_302, %add3A_316 : vector<16xf32>
    %add3A_318 = arith.constant 0.666666686 : f32
    %add3A_319 = vector.broadcast %add3A_318 : f32 to vector<16xf32>
    %add3A_320 = arith.addf %add3A_319, %mul3A_317 : vector<16xf32>
    %mul3A_321 = arith.mulf %mul3A_302, %add3A_320 : vector<16xf32>
    %add3A_322 = arith.constant 2.000000e+00 : f32
    %add3A_323 = vector.broadcast %add3A_322 : f32 to vector<16xf32>
    %add3A_324 = arith.addf %add3A_323, %mul3A_321 : vector<16xf32>
    %mul3A_325 = arith.mulf %div3A_301, %add3A_324 : vector<16xf32>
    %min3A_326 = arith.constant 0.000000e+00 : f32
    %min3A_327 = vector.broadcast %min3A_326 : f32 to vector<16xf32>
    %min3A_328 = arith.minimumf %mul3A_292, %min3A_327 : vector<16xf32>
    %sub3A_329 = arith.subf %min3A_328, %mul3A_325 : vector<16xf32>
    %eq3A_330 = arith.constant 0.000000e+00 : f32
    %eq3A_331 = vector.broadcast %eq3A_330 : f32 to vector<16xf32>
    %eq3A_332 = arith.cmpf oeq, %get3A_288, %eq3A_331 : vector<16xf32>
    %jit3A_333 = arith.constant 0.000000e+00 : f32
    %broadcast_in_dim3A_334 = vector.broadcast %jit3A_333 : f32 to vector<16xf32>
    %select_n3A_335 = arith.select %eq3A_332, %broadcast_in_dim3A_334, %sub3A_329 : vector<16xi1>, vector<16xf32>
    %add3A_336 = arith.addf %add3A_285, %select_n3A_335 : vector<16xf32>
    %get3A_337 = arith.constant 80 : index
    %get3A_338 = tpu.vector_load %arg7[%get3A_337] {strides = array<i32>} : memref<512xf32, #tpu.memory_space<vmem>>, vector<16xf32>,
    %get3A_339 = vector.shape_cast %get3A_338 : vector<16xf32> to vector<16xf32>
    %get3A_340 = arith.constant 80 : index
    %get3A_341 = tpu.vector_load %arg8[%get3A_340] {strides = array<i32>} : memref<512xf32, #tpu.memory_space<vmem>>, vector<16xf32>,
    %get3A_342 = vector.shape_cast %get3A_341 : vector<16xf32> to vector<16xf32>
    %mul3A_343 = arith.mulf %get3A_342, %get3A_339 : vector<16xf32>
    %abs3A_344 = math.absf %mul3A_343 : vector<16xf32>
    %neg3A_345 = arith.constant 0.000000e+00 : f32
    %neg3A_346 = vector.broadcast %neg3A_345 : f32 to vector<16xf32>
    %neg3A_347 = arith.subf %neg3A_346, %abs3A_344 : vector<16xf32>
    %exp3A_348 = math.exp %neg3A_347 : vector<16xf32>
    %add3A_349 = arith.constant 2.000000e+00 : f32
    %add3A_350 = vector.broadcast %add3A_349 : f32 to vector<16xf32>
    %add3A_351 = arith.addf %add3A_350, %exp3A_348 : vector<16xf32>
    %div3A_352 = arith.divf %exp3A_348, %add3A_351 : vector<16xf32>
    %mul3A_353 = arith.mulf %div3A_352, %div3A_352 : vector<16xf32>
    %mul3A_354 = arith.constant 0.181818187 : f32
    %mul3A_355 = vector.broadcast %mul3A_354 : f32 to vector<16xf32>
    %mul3A_356 = arith.mulf %mul3A_353, %mul3A_355 : vector<16xf32>
    %add3A_357 = arith.constant 0.222222224 : f32
    %add3A_358 = vector.broadcast %add3A_357 : f32 to vector<16xf32>
    %add3A_359 = arith.addf %add3A_358, %mul3A_356 : vector<16xf32>
    %mul3A_360 = arith.mulf %mul3A_353, %add3A_359 : vector<16xf32>
    %add3A_361 = arith.constant 0.285714298 : f32
    %add3A_362 = vector.broadcast %add3A_361 : f32 to vector<16xf32>
    %add3A_363 = arith.addf %add3A_362, %mul3A_360 : vector<16xf32>
    %mul3A_364 = arith.mulf %mul3A_353, %add3A_363 : vector<16xf32>
    %add3A_365 = arith.constant 4.000000e-01 : f32
    %add3A_366 = vector.broadcast %add3A_365 : f32 to vector<16xf32>
    %add3A_367 = arith.addf %add3A_366, %mul3A_364 : vector<16xf32>
    %mul3A_368 = arith.mulf %mul3A_353, %add3A_367 : vector<16xf32>
    %add3A_369 = arith.constant 0.666666686 : f32
    %add3A_370 = vector.broadcast %add3A_369 : f32 to vector<16xf32>
    %add3A_371 = arith.addf %add3A_370, %mul3A_368 : vector<16xf32>
    %mul3A_372 = arith.mulf %mul3A_353, %add3A_371 : vector<16xf32>
    %add3A_373 = arith.constant 2.000000e+00 : f32
    %add3A_374 = vector.broadcast %add3A_373 : f32 to vector<16xf32>
    %add3A_375 = arith.addf %add3A_374, %mul3A_372 : vector<16xf32>
    %mul3A_376 = arith.mulf %div3A_352, %add3A_375 : vector<16xf32>
    %min3A_377 = arith.constant 0.000000e+00 : f32
    %min3A_378 = vector.broadcast %min3A_377 : f32 to vector<16xf32>
    %min3A_379 = arith.minimumf %mul3A_343, %min3A_378 : vector<16xf32>
    %sub3A_380 = arith.subf %min3A_379, %mul3A_376 : vector<16xf32>
    %eq3A_381 = arith.constant 0.000000e+00 : f32
    %eq3A_382 = vector.broadcast %eq3A_381 : f32 to vector<16xf32>
    %eq3A_383 = arith.cmpf oeq, %get3A_339, %eq3A_382 : vector<16xf32>
    %jit3A_384 = arith.constant 0.000000e+00 : f32
    %broadcast_in_dim3A_385 = vector.broadcast %jit3A_384 : f32 to vector<16xf32>
    %select_n3A_386 = arith.select %eq3A_383, %broadcast_in_dim3A_385, %sub3A_380 : vector<16xi1>, vector<16xf32>
    %add3A_387 = arith.addf %add3A_336, %select_n3A_386 : vector<16xf32>
    %get3A_388 = arith.constant 96 : index
    %get3A_389 = tpu.vector_load %arg7[%get3A_388] {strides = array<i32>} : memref<512xf32, #tpu.memory_space<vmem>>, vector<16xf32>,
    %get3A_390 = vector.shape_cast %get3A_389 : vector<16xf32> to vector<16xf32>
    %get3A_391 = arith.constant 96 : index
    %get3A_392 = tpu.vector_load %arg8[%get3A_391] {strides = array<i32>} : memref<512xf32, #tpu.memory_space<vmem>>, vector<16xf32>,
    %get3A_393 = vector.shape_cast %get3A_392 : vector<16xf32> to vector<16xf32>
    %mul3A_394 = arith.mulf %get3A_393, %get3A_390 : vector<16xf32>
    %abs3A_395 = math.absf %mul3A_394 : vector<16xf32>
    %neg3A_396 = arith.constant 0.000000e+00 : f32
    %neg3A_397 = vector.broadcast %neg3A_396 : f32 to vector<16xf32>
    %neg3A_398 = arith.subf %neg3A_397, %abs3A_395 : vector<16xf32>
    %exp3A_399 = math.exp %neg3A_398 : vector<16xf32>
    %add3A_400 = arith.constant 2.000000e+00 : f32
    %add3A_401 = vector.broadcast %add3A_400 : f32 to vector<16xf32>
    %add3A_402 = arith.addf %add3A_401, %exp3A_399 : vector<16xf32>
    %div3A_403 = arith.divf %exp3A_399, %add3A_402 : vector<16xf32>
    %mul3A_404 = arith.mulf %div3A_403, %div3A_403 : vector<16xf32>
    %mul3A_405 = arith.constant 0.181818187 : f32
    %mul3A_406 = vector.broadcast %mul3A_405 : f32 to vector<16xf32>
    %mul3A_407 = arith.mulf %mul3A_404, %mul3A_406 : vector<16xf32>
    %add3A_408 = arith.constant 0.222222224 : f32
    %add3A_409 = vector.broadcast %add3A_408 : f32 to vector<16xf32>
    %add3A_410 = arith.addf %add3A_409, %mul3A_407 : vector<16xf32>
    %mul3A_411 = arith.mulf %mul3A_404, %add3A_410 : vector<16xf32>
    %add3A_412 = arith.constant 0.285714298 : f32
    %add3A_413 = vector.broadcast %add3A_412 : f32 to vector<16xf32>
    %add3A_414 = arith.addf %add3A_413, %mul3A_411 : vector<16xf32>
    %mul3A_415 = arith.mulf %mul3A_404, %add3A_414 : vector<16xf32>
    %add3A_416 = arith.constant 4.000000e-01 : f32
    %add3A_417 = vector.broadcast %add3A_416 : f32 to vector<16xf32>
    %add3A_418 = arith.addf %add3A_417, %mul3A_415 : vector<16xf32>
    %mul3A_419 = arith.mulf %mul3A_404, %add3A_418 : vector<16xf32>
    %add3A_420 = arith.constant 0.666666686 : f32
    %add3A_421 = vector.broadcast %add3A_420 : f32 to vector<16xf32>
    %add3A_422 = arith.addf %add3A_421, %mul3A_419 : vector<16xf32>
    %mul3A_423 = arith.mulf %mul3A_404, %add3A_422 : vector<16xf32>
    %add3A_424 = arith.constant 2.000000e+00 : f32
    %add3A_425 = vector.broadcast %add3A_424 : f32 to vector<16xf32>
    %add3A_426 = arith.addf %add3A_425, %mul3A_423 : vector<16xf32>
    %mul3A_427 = arith.mulf %div3A_403, %add3A_426 : vector<16xf32>
    %min3A_428 = arith.constant 0.000000e+00 : f32
    %min3A_429 = vector.broadcast %min3A_428 : f32 to vector<16xf32>
    %min3A_430 = arith.minimumf %mul3A_394, %min3A_429 : vector<16xf32>
    %sub3A_431 = arith.subf %min3A_430, %mul3A_427 : vector<16xf32>
    %eq3A_432 = arith.constant 0.000000e+00 : f32
    %eq3A_433 = vector.broadcast %eq3A_432 : f32 to vector<16xf32>
    %eq3A_434 = arith.cmpf oeq, %get3A_390, %eq3A_433 : vector<16xf32>
    %jit3A_435 = arith.constant 0.000000e+00 : f32
    %broadcast_in_dim3A_436 = vector.broadcast %jit3A_435 : f32 to vector<16xf32>
    %select_n3A_437 = arith.select %eq3A_434, %broadcast_in_dim3A_436, %sub3A_431 : vector<16xi1>, vector<16xf32>
    %add3A_438 = arith.addf %add3A_387, %select_n3A_437 : vector<16xf32>
    %get3A_439 = arith.constant 112 : index
    %get3A_440 = tpu.vector_load %arg7[%get3A_439] {strides = array<i32>} : memref<512xf32, #tpu.memory_space<vmem>>, vector<16xf32>,
    %get3A_441 = vector.shape_cast %get3A_440 : vector<16xf32> to vector<16xf32>
    %get3A_442 = arith.constant 112 : index
    %get3A_443 = tpu.vector_load %arg8[%get3A_442] {strides = array<i32>} : memref<512xf32, #tpu.memory_space<vmem>>, vector<16xf32>,
    %get3A_444 = vector.shape_cast %get3A_443 : vector<16xf32> to vector<16xf32>
    %mul3A_445 = arith.mulf %get3A_444, %get3A_441 : vector<16xf32>
    %abs3A_446 = math.absf %mul3A_445 : vector<16xf32>
    %neg3A_447 = arith.constant 0.000000e+00 : f32
    %neg3A_448 = vector.broadcast %neg3A_447 : f32 to vector<16xf32>
    %neg3A_449 = arith.subf %neg3A_448, %abs3A_446 : vector<16xf32>
    %exp3A_450 = math.exp %neg3A_449 : vector<16xf32>
    %add3A_451 = arith.constant 2.000000e+00 : f32
    %add3A_452 = vector.broadcast %add3A_451 : f32 to vector<16xf32>
    %add3A_453 = arith.addf %add3A_452, %exp3A_450 : vector<16xf32>
    %div3A_454 = arith.divf %exp3A_450, %add3A_453 : vector<16xf32>
    %mul3A_455 = arith.mulf %div3A_454, %div3A_454 : vector<16xf32>
    %mul3A_456 = arith.constant 0.181818187 : f32
    %mul3A_457 = vector.broadcast %mul3A_456 : f32 to vector<16xf32>
    %mul3A_458 = arith.mulf %mul3A_455, %mul3A_457 : vector<16xf32>
    %add3A_459 = arith.constant 0.222222224 : f32
    %add3A_460 = vector.broadcast %add3A_459 : f32 to vector<16xf32>
    %add3A_461 = arith.addf %add3A_460, %mul3A_458 : vector<16xf32>
    %mul3A_462 = arith.mulf %mul3A_455, %add3A_461 : vector<16xf32>
    %add3A_463 = arith.constant 0.285714298 : f32
    %add3A_464 = vector.broadcast %add3A_463 : f32 to vector<16xf32>
    %add3A_465 = arith.addf %add3A_464, %mul3A_462 : vector<16xf32>
    %mul3A_466 = arith.mulf %mul3A_455, %add3A_465 : vector<16xf32>
    %add3A_467 = arith.constant 4.000000e-01 : f32
    %add3A_468 = vector.broadcast %add3A_467 : f32 to vector<16xf32>
    %add3A_469 = arith.addf %add3A_468, %mul3A_466 : vector<16xf32>
    %mul3A_470 = arith.mulf %mul3A_455, %add3A_469 : vector<16xf32>
    %add3A_471 = arith.constant 0.666666686 : f32
    %add3A_472 = vector.broadcast %add3A_471 : f32 to vector<16xf32>
    %add3A_473 = arith.addf %add3A_472, %mul3A_470 : vector<16xf32>
    %mul3A_474 = arith.mulf %mul3A_455, %add3A_473 : vector<16xf32>
    %add3A_475 = arith.constant 2.000000e+00 : f32
    %add3A_476 = vector.broadcast %add3A_475 : f32 to vector<16xf32>
    %add3A_477 = arith.addf %add3A_476, %mul3A_474 : vector<16xf32>
    %mul3A_478 = arith.mulf %div3A_454, %add3A_477 : vector<16xf32>
    %min3A_479 = arith.constant 0.000000e+00 : f32
    %min3A_480 = vector.broadcast %min3A_479 : f32 to vector<16xf32>
    %min3A_481 = arith.minimumf %mul3A_445, %min3A_480 : vector<16xf32>
    %sub3A_482 = arith.subf %min3A_481, %mul3A_478 : vector<16xf32>
    %eq3A_483 = arith.constant 0.000000e+00 : f32
    %eq3A_484 = vector.broadcast %eq3A_483 : f32 to vector<16xf32>
    %eq3A_485 = arith.cmpf oeq, %get3A_441, %eq3A_484 : vector<16xf32>
    %jit3A_486 = arith.constant 0.000000e+00 : f32
    %broadcast_in_dim3A_487 = vector.broadcast %jit3A_486 : f32 to vector<16xf32>
    %select_n3A_488 = arith.select %eq3A_485, %broadcast_in_dim3A_487, %sub3A_482 : vector<16xi1>, vector<16xf32>
    %add3A_489 = arith.addf %add3A_438, %select_n3A_488 : vector<16xf32>
    %get3A_490 = arith.constant 128 : index
    %get3A_491 = tpu.vector_load %arg7[%get3A_490] {strides = array<i32>} : memref<512xf32, #tpu.memory_space<vmem>>, vector<16xf32>,
    %get3A_492 = vector.shape_cast %get3A_491 : vector<16xf32> to vector<16xf32>
    %get3A_493 = arith.constant 128 : index
    %get3A_494 = tpu.vector_load %arg8[%get3A_493] {strides = array<i32>} : memref<512xf32, #tpu.memory_space<vmem>>, vector<16xf32>,
    %get3A_495 = vector.shape_cast %get3A_494 : vector<16xf32> to vector<16xf32>
    %mul3A_496 = arith.mulf %get3A_495, %get3A_492 : vector<16xf32>
    %abs3A_497 = math.absf %mul3A_496 : vector<16xf32>
    %neg3A_498 = arith.constant 0.000000e+00 : f32
    %neg3A_499 = vector.broadcast %neg3A_498 : f32 to vector<16xf32>
    %neg3A_500 = arith.subf %neg3A_499, %abs3A_497 : vector<16xf32>
    %exp3A_501 = math.exp %neg3A_500 : vector<16xf32>
    %add3A_502 = arith.constant 2.000000e+00 : f32
    %add3A_503 = vector.broadcast %add3A_502 : f32 to vector<16xf32>
    %add3A_504 = arith.addf %add3A_503, %exp3A_501 : vector<16xf32>
    %div3A_505 = arith.divf %exp3A_501, %add3A_504 : vector<16xf32>
    %mul3A_506 = arith.mulf %div3A_505, %div3A_505 : vector<16xf32>
    %mul3A_507 = arith.constant 0.181818187 : f32
    %mul3A_508 = vector.broadcast %mul3A_507 : f32 to vector<16xf32>
    %mul3A_509 = arith.mulf %mul3A_506, %mul3A_508 : vector<16xf32>
    %add3A_510 = arith.constant 0.222222224 : f32
    %add3A_511 = vector.broadcast %add3A_510 : f32 to vector<16xf32>
    %add3A_512 = arith.addf %add3A_511, %mul3A_509 : vector<16xf32>
    %mul3A_513 = arith.mulf %mul3A_506, %add3A_512 : vector<16xf32>
    %add3A_514 = arith.constant 0.285714298 : f32
    %add3A_515 = vector.broadcast %add3A_514 : f32 to vector<16xf32>
    %add3A_516 = arith.addf %add3A_515, %mul3A_513 : vector<16xf32>
    %mul3A_517 = arith.mulf %mul3A_506, %add3A_516 : vector<16xf32>
    %add3A_518 = arith.constant 4.000000e-01 : f32
    %add3A_519 = vector.broadcast %add3A_518 : f32 to vector<16xf32>
    %add3A_520 = arith.addf %add3A_519, %mul3A_517 : vector<16xf32>
    %mul3A_521 = arith.mulf %mul3A_506, %add3A_520 : vector<16xf32>
    %add3A_522 = arith.constant 0.666666686 : f32
    %add3A_523 = vector.broadcast %add3A_522 : f32 to vector<16xf32>
    %add3A_524 = arith.addf %add3A_523, %mul3A_521 : vector<16xf32>
    %mul3A_525 = arith.mulf %mul3A_506, %add3A_524 : vector<16xf32>
    %add3A_526 = arith.constant 2.000000e+00 : f32
    %add3A_527 = vector.broadcast %add3A_526 : f32 to vector<16xf32>
    %add3A_528 = arith.addf %add3A_527, %mul3A_525 : vector<16xf32>
    %mul3A_529 = arith.mulf %div3A_505, %add3A_528 : vector<16xf32>
    %min3A_530 = arith.constant 0.000000e+00 : f32
    %min3A_531 = vector.broadcast %min3A_530 : f32 to vector<16xf32>
    %min3A_532 = arith.minimumf %mul3A_496, %min3A_531 : vector<16xf32>
    %sub3A_533 = arith.subf %min3A_532, %mul3A_529 : vector<16xf32>
    %eq3A_534 = arith.constant 0.000000e+00 : f32
    %eq3A_535 = vector.broadcast %eq3A_534 : f32 to vector<16xf32>
    %eq3A_536 = arith.cmpf oeq, %get3A_492, %eq3A_535 : vector<16xf32>
    %jit3A_537 = arith.constant 0.000000e+00 : f32
    %broadcast_in_dim3A_538 = vector.broadcast %jit3A_537 : f32 to vector<16xf32>
    %select_n3A_539 = arith.select %eq3A_536, %broadcast_in_dim3A_538, %sub3A_533 : vector<16xi1>, vector<16xf32>
    %add3A_540 = arith.addf %add3A_489, %select_n3A_539 : vector<16xf32>
    %get3A_541 = arith.constant 144 : index
    %get3A_542 = tpu.vector_load %arg7[%get3A_541] {strides = array<i32>} : memref<512xf32, #tpu.memory_space<vmem>>, vector<16xf32>,
    %get3A_543 = vector.shape_cast %get3A_542 : vector<16xf32> to vector<16xf32>
    %get3A_544 = arith.constant 144 : index
    %get3A_545 = tpu.vector_load %arg8[%get3A_544] {strides = array<i32>} : memref<512xf32, #tpu.memory_space<vmem>>, vector<16xf32>,
    %get3A_546 = vector.shape_cast %get3A_545 : vector<16xf32> to vector<16xf32>
    %mul3A_547 = arith.mulf %get3A_546, %get3A_543 : vector<16xf32>
    %abs3A_548 = math.absf %mul3A_547 : vector<16xf32>
    %neg3A_549 = arith.constant 0.000000e+00 : f32
    %neg3A_550 = vector.broadcast %neg3A_549 : f32 to vector<16xf32>
    %neg3A_551 = arith.subf %neg3A_550, %abs3A_548 : vector<16xf32>
    %exp3A_552 = math.exp %neg3A_551 : vector<16xf32>
    %add3A_553 = arith.constant 2.000000e+00 : f32
    %add3A_554 = vector.broadcast %add3A_553 : f32 to vector<16xf32>
    %add3A_555 = arith.addf %add3A_554, %exp3A_552 : vector<16xf32>
    %div3A_556 = arith.divf %exp3A_552, %add3A_555 : vector<16xf32>
    %mul3A_557 = arith.mulf %div3A_556, %div3A_556 : vector<16xf32>
    %mul3A_558 = arith.constant 0.181818187 : f32
    %mul3A_559 = vector.broadcast %mul3A_558 : f32 to vector<16xf32>
    %mul3A_560 = arith.mulf %mul3A_557, %mul3A_559 : vector<16xf32>
    %add3A_561 = arith.constant 0.222222224 : f32
    %add3A_562 = vector.broadcast %add3A_561 : f32 to vector<16xf32>
    %add3A_563 = arith.addf %add3A_562, %mul3A_560 : vector<16xf32>
    %mul3A_564 = arith.mulf %mul3A_557, %add3A_563 : vector<16xf32>
    %add3A_565 = arith.constant 0.285714298 : f32
    %add3A_566 = vector.broadcast %add3A_565 : f32 to vector<16xf32>
    %add3A_567 = arith.addf %add3A_566, %mul3A_564 : vector<16xf32>
    %mul3A_568 = arith.mulf %mul3A_557, %add3A_567 : vector<16xf32>
    %add3A_569 = arith.constant 4.000000e-01 : f32
    %add3A_570 = vector.broadcast %add3A_569 : f32 to vector<16xf32>
    %add3A_571 = arith.addf %add3A_570, %mul3A_568 : vector<16xf32>
    %mul3A_572 = arith.mulf %mul3A_557, %add3A_571 : vector<16xf32>
    %add3A_573 = arith.constant 0.666666686 : f32
    %add3A_574 = vector.broadcast %add3A_573 : f32 to vector<16xf32>
    %add3A_575 = arith.addf %add3A_574, %mul3A_572 : vector<16xf32>
    %mul3A_576 = arith.mulf %mul3A_557, %add3A_575 : vector<16xf32>
    %add3A_577 = arith.constant 2.000000e+00 : f32
    %add3A_578 = vector.broadcast %add3A_577 : f32 to vector<16xf32>
    %add3A_579 = arith.addf %add3A_578, %mul3A_576 : vector<16xf32>
    %mul3A_580 = arith.mulf %div3A_556, %add3A_579 : vector<16xf32>
    %min3A_581 = arith.constant 0.000000e+00 : f32
    %min3A_582 = vector.broadcast %min3A_581 : f32 to vector<16xf32>
    %min3A_583 = arith.minimumf %mul3A_547, %min3A_582 : vector<16xf32>
    %sub3A_584 = arith.subf %min3A_583, %mul3A_580 : vector<16xf32>
    %eq3A_585 = arith.constant 0.000000e+00 : f32
    %eq3A_586 = vector.broadcast %eq3A_585 : f32 to vector<16xf32>
    %eq3A_587 = arith.cmpf oeq, %get3A_543, %eq3A_586 : vector<16xf32>
    %jit3A_588 = arith.constant 0.000000e+00 : f32
    %broadcast_in_dim3A_589 = vector.broadcast %jit3A_588 : f32 to vector<16xf32>
    %select_n3A_590 = arith.select %eq3A_587, %broadcast_in_dim3A_589, %sub3A_584 : vector<16xi1>, vector<16xf32>
    %add3A_591 = arith.addf %add3A_540, %select_n3A_590 : vector<16xf32>
    %get3A_592 = arith.constant 160 : index
    %get3A_593 = tpu.vector_load %arg7[%get3A_592] {strides = array<i32>} : memref<512xf32, #tpu.memory_space<vmem>>, vector<16xf32>,
    %get3A_594 = vector.shape_cast %get3A_593 : vector<16xf32> to vector<16xf32>
    %get3A_595 = arith.constant 160 : index
    %get3A_596 = tpu.vector_load %arg8[%get3A_595] {strides = array<i32>} : memref<512xf32, #tpu.memory_space<vmem>>, vector<16xf32>,
    %get3A_597 = vector.shape_cast %get3A_596 : vector<16xf32> to vector<16xf32>
    %mul3A_598 = arith.mulf %get3A_597, %get3A_594 : vector<16xf32>
    %abs3A_599 = math.absf %mul3A_598 : vector<16xf32>
    %neg3A_600 = arith.constant 0.000000e+00 : f32
    %neg3A_601 = vector.broadcast %neg3A_600 : f32 to vector<16xf32>
    %neg3A_602 = arith.subf %neg3A_601, %abs3A_599 : vector<16xf32>
    %exp3A_603 = math.exp %neg3A_602 : vector<16xf32>
    %add3A_604 = arith.constant 2.000000e+00 : f32
    %add3A_605 = vector.broadcast %add3A_604 : f32 to vector<16xf32>
    %add3A_606 = arith.addf %add3A_605, %exp3A_603 : vector<16xf32>
    %div3A_607 = arith.divf %exp3A_603, %add3A_606 : vector<16xf32>
    %mul3A_608 = arith.mulf %div3A_607, %div3A_607 : vector<16xf32>
    %mul3A_609 = arith.constant 0.181818187 : f32
    %mul3A_610 = vector.broadcast %mul3A_609 : f32 to vector<16xf32>
    %mul3A_611 = arith.mulf %mul3A_608, %mul3A_610 : vector<16xf32>
    %add3A_612 = arith.constant 0.222222224 : f32
    %add3A_613 = vector.broadcast %add3A_612 : f32 to vector<16xf32>
    %add3A_614 = arith.addf %add3A_613, %mul3A_611 : vector<16xf32>
    %mul3A_615 = arith.mulf %mul3A_608, %add3A_614 : vector<16xf32>
    %add3A_616 = arith.constant 0.285714298 : f32
    %add3A_617 = vector.broadcast %add3A_616 : f32 to vector<16xf32>
    %add3A_618 = arith.addf %add3A_617, %mul3A_615 : vector<16xf32>
    %mul3A_619 = arith.mulf %mul3A_608, %add3A_618 : vector<16xf32>
    %add3A_620 = arith.constant 4.000000e-01 : f32
    %add3A_621 = vector.broadcast %add3A_620 : f32 to vector<16xf32>
    %add3A_622 = arith.addf %add3A_621, %mul3A_619 : vector<16xf32>
    %mul3A_623 = arith.mulf %mul3A_608, %add3A_622 : vector<16xf32>
    %add3A_624 = arith.constant 0.666666686 : f32
    %add3A_625 = vector.broadcast %add3A_624 : f32 to vector<16xf32>
    %add3A_626 = arith.addf %add3A_625, %mul3A_623 : vector<16xf32>
    %mul3A_627 = arith.mulf %mul3A_608, %add3A_626 : vector<16xf32>
    %add3A_628 = arith.constant 2.000000e+00 : f32
    %add3A_629 = vector.broadcast %add3A_628 : f32 to vector<16xf32>
    %add3A_630 = arith.addf %add3A_629, %mul3A_627 : vector<16xf32>
    %mul3A_631 = arith.mulf %div3A_607, %add3A_630 : vector<16xf32>
    %min3A_632 = arith.constant 0.000000e+00 : f32
    %min3A_633 = vector.broadcast %min3A_632 : f32 to vector<16xf32>
    %min3A_634 = arith.minimumf %mul3A_598, %min3A_633 : vector<16xf32>
    %sub3A_635 = arith.subf %min3A_634, %mul3A_631 : vector<16xf32>
    %eq3A_636 = arith.constant 0.000000e+00 : f32
    %eq3A_637 = vector.broadcast %eq3A_636 : f32 to vector<16xf32>
    %eq3A_638 = arith.cmpf oeq, %get3A_594, %eq3A_637 : vector<16xf32>
    %jit3A_639 = arith.constant 0.000000e+00 : f32
    %broadcast_in_dim3A_640 = vector.broadcast %jit3A_639 : f32 to vector<16xf32>
    %select_n3A_641 = arith.select %eq3A_638, %broadcast_in_dim3A_640, %sub3A_635 : vector<16xi1>, vector<16xf32>
    %add3A_642 = arith.addf %add3A_591, %select_n3A_641 : vector<16xf32>
    %get3A_643 = arith.constant 176 : index
    %get3A_644 = tpu.vector_load %arg7[%get3A_643] {strides = array<i32>} : memref<512xf32, #tpu.memory_space<vmem>>, vector<16xf32>,
    %get3A_645 = vector.shape_cast %get3A_644 : vector<16xf32> to vector<16xf32>
    %get3A_646 = arith.constant 176 : index
    %get3A_647 = tpu.vector_load %arg8[%get3A_646] {strides = array<i32>} : memref<512xf32, #tpu.memory_space<vmem>>, vector<16xf32>,
    %get3A_648 = vector.shape_cast %get3A_647 : vector<16xf32> to vector<16xf32>
    %mul3A_649 = arith.mulf %get3A_648, %get3A_645 : vector<16xf32>
    %abs3A_650 = math.absf %mul3A_649 : vector<16xf32>
    %neg3A_651 = arith.constant 0.000000e+00 : f32
    %neg3A_652 = vector.broadcast %neg3A_651 : f32 to vector<16xf32>
    %neg3A_653 = arith.subf %neg3A_652, %abs3A_650 : vector<16xf32>
    %exp3A_654 = math.exp %neg3A_653 : vector<16xf32>
    %add3A_655 = arith.constant 2.000000e+00 : f32
    %add3A_656 = vector.broadcast %add3A_655 : f32 to vector<16xf32>
    %add3A_657 = arith.addf %add3A_656, %exp3A_654 : vector<16xf32>
    %div3A_658 = arith.divf %exp3A_654, %add3A_657 : vector<16xf32>
    %mul3A_659 = arith.mulf %div3A_658, %div3A_658 : vector<16xf32>
    %mul3A_660 = arith.constant 0.181818187 : f32
    %mul3A_661 = vector.broadcast %mul3A_660 : f32 to vector<16xf32>
    %mul3A_662 = arith.mulf %mul3A_659, %mul3A_661 : vector<16xf32>
    %add3A_663 = arith.constant 0.222222224 : f32
    %add3A_664 = vector.broadcast %add3A_663 : f32 to vector<16xf32>
    %add3A_665 = arith.addf %add3A_664, %mul3A_662 : vector<16xf32>
    %mul3A_666 = arith.mulf %mul3A_659, %add3A_665 : vector<16xf32>
    %add3A_667 = arith.constant 0.285714298 : f32
    %add3A_668 = vector.broadcast %add3A_667 : f32 to vector<16xf32>
    %add3A_669 = arith.addf %add3A_668, %mul3A_666 : vector<16xf32>
    %mul3A_670 = arith.mulf %mul3A_659, %add3A_669 : vector<16xf32>
    %add3A_671 = arith.constant 4.000000e-01 : f32
    %add3A_672 = vector.broadcast %add3A_671 : f32 to vector<16xf32>
    %add3A_673 = arith.addf %add3A_672, %mul3A_670 : vector<16xf32>
    %mul3A_674 = arith.mulf %mul3A_659, %add3A_673 : vector<16xf32>
    %add3A_675 = arith.constant 0.666666686 : f32
    %add3A_676 = vector.broadcast %add3A_675 : f32 to vector<16xf32>
    %add3A_677 = arith.addf %add3A_676, %mul3A_674 : vector<16xf32>
    %mul3A_678 = arith.mulf %mul3A_659, %add3A_677 : vector<16xf32>
    %add3A_679 = arith.constant 2.000000e+00 : f32
    %add3A_680 = vector.broadcast %add3A_679 : f32 to vector<16xf32>
    %add3A_681 = arith.addf %add3A_680, %mul3A_678 : vector<16xf32>
    %mul3A_682 = arith.mulf %div3A_658, %add3A_681 : vector<16xf32>
    %min3A_683 = arith.constant 0.000000e+00 : f32
    %min3A_684 = vector.broadcast %min3A_683 : f32 to vector<16xf32>
    %min3A_685 = arith.minimumf %mul3A_649, %min3A_684 : vector<16xf32>
    %sub3A_686 = arith.subf %min3A_685, %mul3A_682 : vector<16xf32>
    %eq3A_687 = arith.constant 0.000000e+00 : f32
    %eq3A_688 = vector.broadcast %eq3A_687 : f32 to vector<16xf32>
    %eq3A_689 = arith.cmpf oeq, %get3A_645, %eq3A_688 : vector<16xf32>
    %jit3A_690 = arith.constant 0.000000e+00 : f32
    %broadcast_in_dim3A_691 = vector.broadcast %jit3A_690 : f32 to vector<16xf32>
    %select_n3A_692 = arith.select %eq3A_689, %broadcast_in_dim3A_691, %sub3A_686 : vector<16xi1>, vector<16xf32>
    %add3A_693 = arith.addf %add3A_642, %select_n3A_692 : vector<16xf32>
    %get3A_694 = arith.constant 192 : index
    %get3A_695 = tpu.vector_load %arg7[%get3A_694] {strides = array<i32>} : memref<512xf32, #tpu.memory_space<vmem>>, vector<16xf32>,
    %get3A_696 = vector.shape_cast %get3A_695 : vector<16xf32> to vector<16xf32>
    %get3A_697 = arith.constant 192 : index
    %get3A_698 = tpu.vector_load %arg8[%get3A_697] {strides = array<i32>} : memref<512xf32, #tpu.memory_space<vmem>>, vector<16xf32>,
    %get3A_699 = vector.shape_cast %get3A_698 : vector<16xf32> to vector<16xf32>
    %mul3A_700 = arith.mulf %get3A_699, %get3A_696 : vector<16xf32>
    %abs3A_701 = math.absf %mul3A_700 : vector<16xf32>
    %neg3A_702 = arith.constant 0.000000e+00 : f32
    %neg3A_703 = vector.broadcast %neg3A_702 : f32 to vector<16xf32>
    %neg3A_704 = arith.subf %neg3A_703, %abs3A_701 : vector<16xf32>
    %exp3A_705 = math.exp %neg3A_704 : vector<16xf32>
    %add3A_706 = arith.constant 2.000000e+00 : f32
    %add3A_707 = vector.broadcast %add3A_706 : f32 to vector<16xf32>
    %add3A_708 = arith.addf %add3A_707, %exp3A_705 : vector<16xf32>
    %div3A_709 = arith.divf %exp3A_705, %add3A_708 : vector<16xf32>
    %mul3A_710 = arith.mulf %div3A_709, %div3A_709 : vector<16xf32>
    %mul3A_711 = arith.constant 0.181818187 : f32
    %mul3A_712 = vector.broadcast %mul3A_711 : f32 to vector<16xf32>
    %mul3A_713 = arith.mulf %mul3A_710, %mul3A_712 : vector<16xf32>
    %add3A_714 = arith.constant 0.222222224 : f32
    %add3A_715 = vector.broadcast %add3A_714 : f32 to vector<16xf32>
    %add3A_716 = arith.addf %add3A_715, %mul3A_713 : vector<16xf32>
    %mul3A_717 = arith.mulf %mul3A_710, %add3A_716 : vector<16xf32>
    %add3A_718 = arith.constant 0.285714298 : f32
    %add3A_719 = vector.broadcast %add3A_718 : f32 to vector<16xf32>
    %add3A_720 = arith.addf %add3A_719, %mul3A_717 : vector<16xf32>
    %mul3A_721 = arith.mulf %mul3A_710, %add3A_720 : vector<16xf32>
    %add3A_722 = arith.constant 4.000000e-01 : f32
    %add3A_723 = vector.broadcast %add3A_722 : f32 to vector<16xf32>
    %add3A_724 = arith.addf %add3A_723, %mul3A_721 : vector<16xf32>
    %mul3A_725 = arith.mulf %mul3A_710, %add3A_724 : vector<16xf32>
    %add3A_726 = arith.constant 0.666666686 : f32
    %add3A_727 = vector.broadcast %add3A_726 : f32 to vector<16xf32>
    %add3A_728 = arith.addf %add3A_727, %mul3A_725 : vector<16xf32>
    %mul3A_729 = arith.mulf %mul3A_710, %add3A_728 : vector<16xf32>
    %add3A_730 = arith.constant 2.000000e+00 : f32
    %add3A_731 = vector.broadcast %add3A_730 : f32 to vector<16xf32>
    %add3A_732 = arith.addf %add3A_731, %mul3A_729 : vector<16xf32>
    %mul3A_733 = arith.mulf %div3A_709, %add3A_732 : vector<16xf32>
    %min3A_734 = arith.constant 0.000000e+00 : f32
    %min3A_735 = vector.broadcast %min3A_734 : f32 to vector<16xf32>
    %min3A_736 = arith.minimumf %mul3A_700, %min3A_735 : vector<16xf32>
    %sub3A_737 = arith.subf %min3A_736, %mul3A_733 : vector<16xf32>
    %eq3A_738 = arith.constant 0.000000e+00 : f32
    %eq3A_739 = vector.broadcast %eq3A_738 : f32 to vector<16xf32>
    %eq3A_740 = arith.cmpf oeq, %get3A_696, %eq3A_739 : vector<16xf32>
    %jit3A_741 = arith.constant 0.000000e+00 : f32
    %broadcast_in_dim3A_742 = vector.broadcast %jit3A_741 : f32 to vector<16xf32>
    %select_n3A_743 = arith.select %eq3A_740, %broadcast_in_dim3A_742, %sub3A_737 : vector<16xi1>, vector<16xf32>
    %add3A_744 = arith.addf %add3A_693, %select_n3A_743 : vector<16xf32>
    %get3A_745 = arith.constant 208 : index
    %get3A_746 = tpu.vector_load %arg7[%get3A_745] {strides = array<i32>} : memref<512xf32, #tpu.memory_space<vmem>>, vector<16xf32>,
    %get3A_747 = vector.shape_cast %get3A_746 : vector<16xf32> to vector<16xf32>
    %get3A_748 = arith.constant 208 : index
    %get3A_749 = tpu.vector_load %arg8[%get3A_748] {strides = array<i32>} : memref<512xf32, #tpu.memory_space<vmem>>, vector<16xf32>,
    %get3A_750 = vector.shape_cast %get3A_749 : vector<16xf32> to vector<16xf32>
    %mul3A_751 = arith.mulf %get3A_750, %get3A_747 : vector<16xf32>
    %abs3A_752 = math.absf %mul3A_751 : vector<16xf32>
    %neg3A_753 = arith.constant 0.000000e+00 : f32
    %neg3A_754 = vector.broadcast %neg3A_753 : f32 to vector<16xf32>
    %neg3A_755 = arith.subf %neg3A_754, %abs3A_752 : vector<16xf32>
    %exp3A_756 = math.exp %neg3A_755 : vector<16xf32>
    %add3A_757 = arith.constant 2.000000e+00 : f32
    %add3A_758 = vector.broadcast %add3A_757 : f32 to vector<16xf32>
    %add3A_759 = arith.addf %add3A_758, %exp3A_756 : vector<16xf32>
    %div3A_760 = arith.divf %exp3A_756, %add3A_759 : vector<16xf32>
    %mul3A_761 = arith.mulf %div3A_760, %div3A_760 : vector<16xf32>
    %mul3A_762 = arith.constant 0.181818187 : f32
    %mul3A_763 = vector.broadcast %mul3A_762 : f32 to vector<16xf32>
    %mul3A_764 = arith.mulf %mul3A_761, %mul3A_763 : vector<16xf32>
    %add3A_765 = arith.constant 0.222222224 : f32
    %add3A_766 = vector.broadcast %add3A_765 : f32 to vector<16xf32>
    %add3A_767 = arith.addf %add3A_766, %mul3A_764 : vector<16xf32>
    %mul3A_768 = arith.mulf %mul3A_761, %add3A_767 : vector<16xf32>
    %add3A_769 = arith.constant 0.285714298 : f32
    %add3A_770 = vector.broadcast %add3A_769 : f32 to vector<16xf32>
    %add3A_771 = arith.addf %add3A_770, %mul3A_768 : vector<16xf32>
    %mul3A_772 = arith.mulf %mul3A_761, %add3A_771 : vector<16xf32>
    %add3A_773 = arith.constant 4.000000e-01 : f32
    %add3A_774 = vector.broadcast %add3A_773 : f32 to vector<16xf32>
    %add3A_775 = arith.addf %add3A_774, %mul3A_772 : vector<16xf32>
    %mul3A_776 = arith.mulf %mul3A_761, %add3A_775 : vector<16xf32>
    %add3A_777 = arith.constant 0.666666686 : f32
    %add3A_778 = vector.broadcast %add3A_777 : f32 to vector<16xf32>
    %add3A_779 = arith.addf %add3A_778, %mul3A_776 : vector<16xf32>
    %mul3A_780 = arith.mulf %mul3A_761, %add3A_779 : vector<16xf32>
    %add3A_781 = arith.constant 2.000000e+00 : f32
    %add3A_782 = vector.broadcast %add3A_781 : f32 to vector<16xf32>
    %add3A_783 = arith.addf %add3A_782, %mul3A_780 : vector<16xf32>
    %mul3A_784 = arith.mulf %div3A_760, %add3A_783 : vector<16xf32>
    %min3A_785 = arith.constant 0.000000e+00 : f32
    %min3A_786 = vector.broadcast %min3A_785 : f32 to vector<16xf32>
    %min3A_787 = arith.minimumf %mul3A_751, %min3A_786 : vector<16xf32>
    %sub3A_788 = arith.subf %min3A_787, %mul3A_784 : vector<16xf32>
    %eq3A_789 = arith.constant 0.000000e+00 : f32
    %eq3A_790 = vector.broadcast %eq3A_789 : f32 to vector<16xf32>
    %eq3A_791 = arith.cmpf oeq, %get3A_747, %eq3A_790 : vector<16xf32>
    %jit3A_792 = arith.constant 0.000000e+00 : f32
    %broadcast_in_dim3A_793 = vector.broadcast %jit3A_792 : f32 to vector<16xf32>
    %select_n3A_794 = arith.select %eq3A_791, %broadcast_in_dim3A_793, %sub3A_788 : vector<16xi1>, vector<16xf32>
    %add3A_795 = arith.addf %add3A_744, %select_n3A_794 : vector<16xf32>
    %get3A_796 = arith.constant 224 : index
    %get3A_797 = tpu.vector_load %arg7[%get3A_796] {strides = array<i32>} : memref<512xf32, #tpu.memory_space<vmem>>, vector<16xf32>,
    %get3A_798 = vector.shape_cast %get3A_797 : vector<16xf32> to vector<16xf32>
    %get3A_799 = arith.constant 224 : index
    %get3A_800 = tpu.vector_load %arg8[%get3A_799] {strides = array<i32>} : memref<512xf32, #tpu.memory_space<vmem>>, vector<16xf32>,
    %get3A_801 = vector.shape_cast %get3A_800 : vector<16xf32> to vector<16xf32>
    %mul3A_802 = arith.mulf %get3A_801, %get3A_798 : vector<16xf32>
    %abs3A_803 = math.absf %mul3A_802 : vector<16xf32>
    %neg3A_804 = arith.constant 0.000000e+00 : f32
    %neg3A_805 = vector.broadcast %neg3A_804 : f32 to vector<16xf32>
    %neg3A_806 = arith.subf %neg3A_805, %abs3A_803 : vector<16xf32>
    %exp3A_807 = math.exp %neg3A_806 : vector<16xf32>
    %add3A_808 = arith.constant 2.000000e+00 : f32
    %add3A_809 = vector.broadcast %add3A_808 : f32 to vector<16xf32>
    %add3A_810 = arith.addf %add3A_809, %exp3A_807 : vector<16xf32>
    %div3A_811 = arith.divf %exp3A_807, %add3A_810 : vector<16xf32>
    %mul3A_812 = arith.mulf %div3A_811, %div3A_811 : vector<16xf32>
    %mul3A_813 = arith.constant 0.181818187 : f32
    %mul3A_814 = vector.broadcast %mul3A_813 : f32 to vector<16xf32>
    %mul3A_815 = arith.mulf %mul3A_812, %mul3A_814 : vector<16xf32>
    %add3A_816 = arith.constant 0.222222224 : f32
    %add3A_817 = vector.broadcast %add3A_816 : f32 to vector<16xf32>
    %add3A_818 = arith.addf %add3A_817, %mul3A_815 : vector<16xf32>
    %mul3A_819 = arith.mulf %mul3A_812, %add3A_818 : vector<16xf32>
    %add3A_820 = arith.constant 0.285714298 : f32
    %add3A_821 = vector.broadcast %add3A_820 : f32 to vector<16xf32>
    %add3A_822 = arith.addf %add3A_821, %mul3A_819 : vector<16xf32>
    %mul3A_823 = arith.mulf %mul3A_812, %add3A_822 : vector<16xf32>
    %add3A_824 = arith.constant 4.000000e-01 : f32
    %add3A_825 = vector.broadcast %add3A_824 : f32 to vector<16xf32>
    %add3A_826 = arith.addf %add3A_825, %mul3A_823 : vector<16xf32>
    %mul3A_827 = arith.mulf %mul3A_812, %add3A_826 : vector<16xf32>
    %add3A_828 = arith.constant 0.666666686 : f32
    %add3A_829 = vector.broadcast %add3A_828 : f32 to vector<16xf32>
    %add3A_830 = arith.addf %add3A_829, %mul3A_827 : vector<16xf32>
    %mul3A_831 = arith.mulf %mul3A_812, %add3A_830 : vector<16xf32>
    %add3A_832 = arith.constant 2.000000e+00 : f32
    %add3A_833 = vector.broadcast %add3A_832 : f32 to vector<16xf32>
    %add3A_834 = arith.addf %add3A_833, %mul3A_831 : vector<16xf32>
    %mul3A_835 = arith.mulf %div3A_811, %add3A_834 : vector<16xf32>
    %min3A_836 = arith.constant 0.000000e+00 : f32
    %min3A_837 = vector.broadcast %min3A_836 : f32 to vector<16xf32>
    %min3A_838 = arith.minimumf %mul3A_802, %min3A_837 : vector<16xf32>
    %sub3A_839 = arith.subf %min3A_838, %mul3A_835 : vector<16xf32>
    %eq3A_840 = arith.constant 0.000000e+00 : f32
    %eq3A_841 = vector.broadcast %eq3A_840 : f32 to vector<16xf32>
    %eq3A_842 = arith.cmpf oeq, %get3A_798, %eq3A_841 : vector<16xf32>
    %jit3A_843 = arith.constant 0.000000e+00 : f32
    %broadcast_in_dim3A_844 = vector.broadcast %jit3A_843 : f32 to vector<16xf32>
    %select_n3A_845 = arith.select %eq3A_842, %broadcast_in_dim3A_844, %sub3A_839 : vector<16xi1>, vector<16xf32>
    %add3A_846 = arith.addf %add3A_795, %select_n3A_845 : vector<16xf32>
    %get3A_847 = arith.constant 240 : index
    %get3A_848 = tpu.vector_load %arg7[%get3A_847] {strides = array<i32>} : memref<512xf32, #tpu.memory_space<vmem>>, vector<16xf32>,
    %get3A_849 = vector.shape_cast %get3A_848 : vector<16xf32> to vector<16xf32>
    %get3A_850 = arith.constant 240 : index
    %get3A_851 = tpu.vector_load %arg8[%get3A_850] {strides = array<i32>} : memref<512xf32, #tpu.memory_space<vmem>>, vector<16xf32>,
    %get3A_852 = vector.shape_cast %get3A_851 : vector<16xf32> to vector<16xf32>
    %mul3A_853 = arith.mulf %get3A_852, %get3A_849 : vector<16xf32>
    %abs3A_854 = math.absf %mul3A_853 : vector<16xf32>
    %neg3A_855 = arith.constant 0.000000e+00 : f32
    %neg3A_856 = vector.broadcast %neg3A_855 : f32 to vector<16xf32>
    %neg3A_857 = arith.subf %neg3A_856, %abs3A_854 : vector<16xf32>
    %exp3A_858 = math.exp %neg3A_857 : vector<16xf32>
    %add3A_859 = arith.constant 2.000000e+00 : f32
    %add3A_860 = vector.broadcast %add3A_859 : f32 to vector<16xf32>
    %add3A_861 = arith.addf %add3A_860, %exp3A_858 : vector<16xf32>
    %div3A_862 = arith.divf %exp3A_858, %add3A_861 : vector<16xf32>
    %mul3A_863 = arith.mulf %div3A_862, %div3A_862 : vector<16xf32>
    %mul3A_864 = arith.constant 0.181818187 : f32
    %mul3A_865 = vector.broadcast %mul3A_864 : f32 to vector<16xf32>
    %mul3A_866 = arith.mulf %mul3A_863, %mul3A_865 : vector<16xf32>
    %add3A_867 = arith.constant 0.222222224 : f32
    %add3A_868 = vector.broadcast %add3A_867 : f32 to vector<16xf32>
    %add3A_869 = arith.addf %add3A_868, %mul3A_866 : vector<16xf32>
    %mul3A_870 = arith.mulf %mul3A_863, %add3A_869 : vector<16xf32>
    %add3A_871 = arith.constant 0.285714298 : f32
    %add3A_872 = vector.broadcast %add3A_871 : f32 to vector<16xf32>
    %add3A_873 = arith.addf %add3A_872, %mul3A_870 : vector<16xf32>
    %mul3A_874 = arith.mulf %mul3A_863, %add3A_873 : vector<16xf32>
    %add3A_875 = arith.constant 4.000000e-01 : f32
    %add3A_876 = vector.broadcast %add3A_875 : f32 to vector<16xf32>
    %add3A_877 = arith.addf %add3A_876, %mul3A_874 : vector<16xf32>
    %mul3A_878 = arith.mulf %mul3A_863, %add3A_877 : vector<16xf32>
    %add3A_879 = arith.constant 0.666666686 : f32
    %add3A_880 = vector.broadcast %add3A_879 : f32 to vector<16xf32>
    %add3A_881 = arith.addf %add3A_880, %mul3A_878 : vector<16xf32>
    %mul3A_882 = arith.mulf %mul3A_863, %add3A_881 : vector<16xf32>
    %add3A_883 = arith.constant 2.000000e+00 : f32
    %add3A_884 = vector.broadcast %add3A_883 : f32 to vector<16xf32>
    %add3A_885 = arith.addf %add3A_884, %mul3A_882 : vector<16xf32>
    %mul3A_886 = arith.mulf %div3A_862, %add3A_885 : vector<16xf32>
    %min3A_887 = arith.constant 0.000000e+00 : f32
    %min3A_888 = vector.broadcast %min3A_887 : f32 to vector<16xf32>
    %min3A_889 = arith.minimumf %mul3A_853, %min3A_888 : vector<16xf32>
    %sub3A_890 = arith.subf %min3A_889, %mul3A_886 : vector<16xf32>
    %eq3A_891 = arith.constant 0.000000e+00 : f32
    %eq3A_892 = vector.broadcast %eq3A_891 : f32 to vector<16xf32>
    %eq3A_893 = arith.cmpf oeq, %get3A_849, %eq3A_892 : vector<16xf32>
    %jit3A_894 = arith.constant 0.000000e+00 : f32
    %broadcast_in_dim3A_895 = vector.broadcast %jit3A_894 : f32 to vector<16xf32>
    %select_n3A_896 = arith.select %eq3A_893, %broadcast_in_dim3A_895, %sub3A_890 : vector<16xi1>, vector<16xf32>
    %add3A_897 = arith.addf %add3A_846, %select_n3A_896 : vector<16xf32>
    %get3A_898 = arith.constant 256 : index
    %get3A_899 = tpu.vector_load %arg7[%get3A_898] {strides = array<i32>} : memref<512xf32, #tpu.memory_space<vmem>>, vector<16xf32>,
    %get3A_900 = vector.shape_cast %get3A_899 : vector<16xf32> to vector<16xf32>
    %get3A_901 = arith.constant 256 : index
    %get3A_902 = tpu.vector_load %arg8[%get3A_901] {strides = array<i32>} : memref<512xf32, #tpu.memory_space<vmem>>, vector<16xf32>,
    %get3A_903 = vector.shape_cast %get3A_902 : vector<16xf32> to vector<16xf32>
    %mul3A_904 = arith.mulf %get3A_903, %get3A_900 : vector<16xf32>
    %abs3A_905 = math.absf %mul3A_904 : vector<16xf32>
    %neg3A_906 = arith.constant 0.000000e+00 : f32
    %neg3A_907 = vector.broadcast %neg3A_906 : f32 to vector<16xf32>
    %neg3A_908 = arith.subf %neg3A_907, %abs3A_905 : vector<16xf32>
    %exp3A_909 = math.exp %neg3A_908 : vector<16xf32>
    %add3A_910 = arith.constant 2.000000e+00 : f32
    %add3A_911 = vector.broadcast %add3A_910 : f32 to vector<16xf32>
    %add3A_912 = arith.addf %add3A_911, %exp3A_909 : vector<16xf32>
    %div3A_913 = arith.divf %exp3A_909, %add3A_912 : vector<16xf32>
    %mul3A_914 = arith.mulf %div3A_913, %div3A_913 : vector<16xf32>
    %mul3A_915 = arith.constant 0.181818187 : f32
    %mul3A_916 = vector.broadcast %mul3A_915 : f32 to vector<16xf32>
    %mul3A_917 = arith.mulf %mul3A_914, %mul3A_916 : vector<16xf32>
    %add3A_918 = arith.constant 0.222222224 : f32
    %add3A_919 = vector.broadcast %add3A_918 : f32 to vector<16xf32>
    %add3A_920 = arith.addf %add3A_919, %mul3A_917 : vector<16xf32>
    %mul3A_921 = arith.mulf %mul3A_914, %add3A_920 : vector<16xf32>
    %add3A_922 = arith.constant 0.285714298 : f32
    %add3A_923 = vector.broadcast %add3A_922 : f32 to vector<16xf32>
    %add3A_924 = arith.addf %add3A_923, %mul3A_921 : vector<16xf32>
    %mul3A_925 = arith.mulf %mul3A_914, %add3A_924 : vector<16xf32>
    %add3A_926 = arith.constant 4.000000e-01 : f32
    %add3A_927 = vector.broadcast %add3A_926 : f32 to vector<16xf32>
    %add3A_928 = arith.addf %add3A_927, %mul3A_925 : vector<16xf32>
    %mul3A_929 = arith.mulf %mul3A_914, %add3A_928 : vector<16xf32>
    %add3A_930 = arith.constant 0.666666686 : f32
    %add3A_931 = vector.broadcast %add3A_930 : f32 to vector<16xf32>
    %add3A_932 = arith.addf %add3A_931, %mul3A_929 : vector<16xf32>
    %mul3A_933 = arith.mulf %mul3A_914, %add3A_932 : vector<16xf32>
    %add3A_934 = arith.constant 2.000000e+00 : f32
    %add3A_935 = vector.broadcast %add3A_934 : f32 to vector<16xf32>
    %add3A_936 = arith.addf %add3A_935, %mul3A_933 : vector<16xf32>
    %mul3A_937 = arith.mulf %div3A_913, %add3A_936 : vector<16xf32>
    %min3A_938 = arith.constant 0.000000e+00 : f32
    %min3A_939 = vector.broadcast %min3A_938 : f32 to vector<16xf32>
    %min3A_940 = arith.minimumf %mul3A_904, %min3A_939 : vector<16xf32>
    %sub3A_941 = arith.subf %min3A_940, %mul3A_937 : vector<16xf32>
    %eq3A_942 = arith.constant 0.000000e+00 : f32
    %eq3A_943 = vector.broadcast %eq3A_942 : f32 to vector<16xf32>
    %eq3A_944 = arith.cmpf oeq, %get3A_900, %eq3A_943 : vector<16xf32>
    %jit3A_945 = arith.constant 0.000000e+00 : f32
    %broadcast_in_dim3A_946 = vector.broadcast %jit3A_945 : f32 to vector<16xf32>
    %select_n3A_947 = arith.select %eq3A_944, %broadcast_in_dim3A_946, %sub3A_941 : vector<16xi1>, vector<16xf32>
    %add3A_948 = arith.addf %add3A_897, %select_n3A_947 : vector<16xf32>
    %get3A_949 = arith.constant 272 : index
    %get3A_950 = tpu.vector_load %arg7[%get3A_949] {strides = array<i32>} : memref<512xf32, #tpu.memory_space<vmem>>, vector<16xf32>,
    %get3A_951 = vector.shape_cast %get3A_950 : vector<16xf32> to vector<16xf32>
    %get3A_952 = arith.constant 272 : index
    %get3A_953 = tpu.vector_load %arg8[%get3A_952] {strides = array<i32>} : memref<512xf32, #tpu.memory_space<vmem>>, vector<16xf32>,
    %get3A_954 = vector.shape_cast %get3A_953 : vector<16xf32> to vector<16xf32>
    %mul3A_955 = arith.mulf %get3A_954, %get3A_951 : vector<16xf32>
    %abs3A_956 = math.absf %mul3A_955 : vector<16xf32>
    %neg3A_957 = arith.constant 0.000000e+00 : f32
    %neg3A_958 = vector.broadcast %neg3A_957 : f32 to vector<16xf32>
    %neg3A_959 = arith.subf %neg3A_958, %abs3A_956 : vector<16xf32>
    %exp3A_960 = math.exp %neg3A_959 : vector<16xf32>
    %add3A_961 = arith.constant 2.000000e+00 : f32
    %add3A_962 = vector.broadcast %add3A_961 : f32 to vector<16xf32>
    %add3A_963 = arith.addf %add3A_962, %exp3A_960 : vector<16xf32>
    %div3A_964 = arith.divf %exp3A_960, %add3A_963 : vector<16xf32>
    %mul3A_965 = arith.mulf %div3A_964, %div3A_964 : vector<16xf32>
    %mul3A_966 = arith.constant 0.181818187 : f32
    %mul3A_967 = vector.broadcast %mul3A_966 : f32 to vector<16xf32>
    %mul3A_968 = arith.mulf %mul3A_965, %mul3A_967 : vector<16xf32>
    %add3A_969 = arith.constant 0.222222224 : f32
    %add3A_970 = vector.broadcast %add3A_969 : f32 to vector<16xf32>
    %add3A_971 = arith.addf %add3A_970, %mul3A_968 : vector<16xf32>
    %mul3A_972 = arith.mulf %mul3A_965, %add3A_971 : vector<16xf32>
    %add3A_973 = arith.constant 0.285714298 : f32
    %add3A_974 = vector.broadcast %add3A_973 : f32 to vector<16xf32>
    %add3A_975 = arith.addf %add3A_974, %mul3A_972 : vector<16xf32>
    %mul3A_976 = arith.mulf %mul3A_965, %add3A_975 : vector<16xf32>
    %add3A_977 = arith.constant 4.000000e-01 : f32
    %add3A_978 = vector.broadcast %add3A_977 : f32 to vector<16xf32>
    %add3A_979 = arith.addf %add3A_978, %mul3A_976 : vector<16xf32>
    %mul3A_980 = arith.mulf %mul3A_965, %add3A_979 : vector<16xf32>
    %add3A_981 = arith.constant 0.666666686 : f32
    %add3A_982 = vector.broadcast %add3A_981 : f32 to vector<16xf32>
    %add3A_983 = arith.addf %add3A_982, %mul3A_980 : vector<16xf32>
    %mul3A_984 = arith.mulf %mul3A_965, %add3A_983 : vector<16xf32>
    %add3A_985 = arith.constant 2.000000e+00 : f32
    %add3A_986 = vector.broadcast %add3A_985 : f32 to vector<16xf32>
    %add3A_987 = arith.addf %add3A_986, %mul3A_984 : vector<16xf32>
    %mul3A_988 = arith.mulf %div3A_964, %add3A_987 : vector<16xf32>
    %min3A_989 = arith.constant 0.000000e+00 : f32
    %min3A_990 = vector.broadcast %min3A_989 : f32 to vector<16xf32>
    %min3A_991 = arith.minimumf %mul3A_955, %min3A_990 : vector<16xf32>
    %sub3A_992 = arith.subf %min3A_991, %mul3A_988 : vector<16xf32>
    %eq3A_993 = arith.constant 0.000000e+00 : f32
    %eq3A_994 = vector.broadcast %eq3A_993 : f32 to vector<16xf32>
    %eq3A_995 = arith.cmpf oeq, %get3A_951, %eq3A_994 : vector<16xf32>
    %jit3A_996 = arith.constant 0.000000e+00 : f32
    %broadcast_in_dim3A_997 = vector.broadcast %jit3A_996 : f32 to vector<16xf32>
    %select_n3A_998 = arith.select %eq3A_995, %broadcast_in_dim3A_997, %sub3A_992 : vector<16xi1>, vector<16xf32>
    %add3A_999 = arith.addf %add3A_948, %select_n3A_998 : vector<16xf32>
    %get3A_1000 = arith.constant 288 : index
    %get3A_1001 = tpu.vector_load %arg7[%get3A_1000] {strides = array<i32>} : memref<512xf32, #tpu.memory_space<vmem>>, vector<16xf32>,
    %get3A_1002 = vector.shape_cast %get3A_1001 : vector<16xf32> to vector<16xf32>
    %get3A_1003 = arith.constant 288 : index
    %get3A_1004 = tpu.vector_load %arg8[%get3A_1003] {strides = array<i32>} : memref<512xf32, #tpu.memory_space<vmem>>, vector<16xf32>,
    %get3A_1005 = vector.shape_cast %get3A_1004 : vector<16xf32> to vector<16xf32>
    %mul3A_1006 = arith.mulf %get3A_1005, %get3A_1002 : vector<16xf32>
    %abs3A_1007 = math.absf %mul3A_1006 : vector<16xf32>
    %neg3A_1008 = arith.constant 0.000000e+00 : f32
    %neg3A_1009 = vector.broadcast %neg3A_1008 : f32 to vector<16xf32>
    %neg3A_1010 = arith.subf %neg3A_1009, %abs3A_1007 : vector<16xf32>
    %exp3A_1011 = math.exp %neg3A_1010 : vector<16xf32>
    %add3A_1012 = arith.constant 2.000000e+00 : f32
    %add3A_1013 = vector.broadcast %add3A_1012 : f32 to vector<16xf32>
    %add3A_1014 = arith.addf %add3A_1013, %exp3A_1011 : vector<16xf32>
    %div3A_1015 = arith.divf %exp3A_1011, %add3A_1014 : vector<16xf32>
    %mul3A_1016 = arith.mulf %div3A_1015, %div3A_1015 : vector<16xf32>
    %mul3A_1017 = arith.constant 0.181818187 : f32
    %mul3A_1018 = vector.broadcast %mul3A_1017 : f32 to vector<16xf32>
    %mul3A_1019 = arith.mulf %mul3A_1016, %mul3A_1018 : vector<16xf32>
    %add3A_1020 = arith.constant 0.222222224 : f32
    %add3A_1021 = vector.broadcast %add3A_1020 : f32 to vector<16xf32>
    %add3A_1022 = arith.addf %add3A_1021, %mul3A_1019 : vector<16xf32>
    %mul3A_1023 = arith.mulf %mul3A_1016, %add3A_1022 : vector<16xf32>
    %add3A_1024 = arith.constant 0.285714298 : f32
    %add3A_1025 = vector.broadcast %add3A_1024 : f32 to vector<16xf32>
    %add3A_1026 = arith.addf %add3A_1025, %mul3A_1023 : vector<16xf32>
    %mul3A_1027 = arith.mulf %mul3A_1016, %add3A_1026 : vector<16xf32>
    %add3A_1028 = arith.constant 4.000000e-01 : f32
    %add3A_1029 = vector.broadcast %add3A_1028 : f32 to vector<16xf32>
    %add3A_1030 = arith.addf %add3A_1029, %mul3A_1027 : vector<16xf32>
    %mul3A_1031 = arith.mulf %mul3A_1016, %add3A_1030 : vector<16xf32>
    %add3A_1032 = arith.constant 0.666666686 : f32
    %add3A_1033 = vector.broadcast %add3A_1032 : f32 to vector<16xf32>
    %add3A_1034 = arith.addf %add3A_1033, %mul3A_1031 : vector<16xf32>
    %mul3A_1035 = arith.mulf %mul3A_1016, %add3A_1034 : vector<16xf32>
    %add3A_1036 = arith.constant 2.000000e+00 : f32
    %add3A_1037 = vector.broadcast %add3A_1036 : f32 to vector<16xf32>
    %add3A_1038 = arith.addf %add3A_1037, %mul3A_1035 : vector<16xf32>
    %mul3A_1039 = arith.mulf %div3A_1015, %add3A_1038 : vector<16xf32>
    %min3A_1040 = arith.constant 0.000000e+00 : f32
    %min3A_1041 = vector.broadcast %min3A_1040 : f32 to vector<16xf32>
    %min3A_1042 = arith.minimumf %mul3A_1006, %min3A_1041 : vector<16xf32>
    %sub3A_1043 = arith.subf %min3A_1042, %mul3A_1039 : vector<16xf32>
    %eq3A_1044 = arith.constant 0.000000e+00 : f32
    %eq3A_1045 = vector.broadcast %eq3A_1044 : f32 to vector<16xf32>
    %eq3A_1046 = arith.cmpf oeq, %get3A_1002, %eq3A_1045 : vector<16xf32>
    %jit3A_1047 = arith.constant 0.000000e+00 : f32
    %broadcast_in_dim3A_1048 = vector.broadcast %jit3A_1047 : f32 to vector<16xf32>
    %select_n3A_1049 = arith.select %eq3A_1046, %broadcast_in_dim3A_1048, %sub3A_1043 : vector<16xi1>, vector<16xf32>
    %add3A_1050 = arith.addf %add3A_999, %select_n3A_1049 : vector<16xf32>
    %get3A_1051 = arith.constant 304 : index
    %get3A_1052 = tpu.vector_load %arg7[%get3A_1051] {strides = array<i32>} : memref<512xf32, #tpu.memory_space<vmem>>, vector<16xf32>,
    %get3A_1053 = vector.shape_cast %get3A_1052 : vector<16xf32> to vector<16xf32>
    %get3A_1054 = arith.constant 304 : index
    %get3A_1055 = tpu.vector_load %arg8[%get3A_1054] {strides = array<i32>} : memref<512xf32, #tpu.memory_space<vmem>>, vector<16xf32>,
    %get3A_1056 = vector.shape_cast %get3A_1055 : vector<16xf32> to vector<16xf32>
    %mul3A_1057 = arith.mulf %get3A_1056, %get3A_1053 : vector<16xf32>
    %abs3A_1058 = math.absf %mul3A_1057 : vector<16xf32>
    %neg3A_1059 = arith.constant 0.000000e+00 : f32
    %neg3A_1060 = vector.broadcast %neg3A_1059 : f32 to vector<16xf32>
    %neg3A_1061 = arith.subf %neg3A_1060, %abs3A_1058 : vector<16xf32>
    %exp3A_1062 = math.exp %neg3A_1061 : vector<16xf32>
    %add3A_1063 = arith.constant 2.000000e+00 : f32
    %add3A_1064 = vector.broadcast %add3A_1063 : f32 to vector<16xf32>
    %add3A_1065 = arith.addf %add3A_1064, %exp3A_1062 : vector<16xf32>
    %div3A_1066 = arith.divf %exp3A_1062, %add3A_1065 : vector<16xf32>
    %mul3A_1067 = arith.mulf %div3A_1066, %div3A_1066 : vector<16xf32>
    %mul3A_1068 = arith.constant 0.181818187 : f32
    %mul3A_1069 = vector.broadcast %mul3A_1068 : f32 to vector<16xf32>
    %mul3A_1070 = arith.mulf %mul3A_1067, %mul3A_1069 : vector<16xf32>
    %add3A_1071 = arith.constant 0.222222224 : f32
    %add3A_1072 = vector.broadcast %add3A_1071 : f32 to vector<16xf32>
    %add3A_1073 = arith.addf %add3A_1072, %mul3A_1070 : vector<16xf32>
    %mul3A_1074 = arith.mulf %mul3A_1067, %add3A_1073 : vector<16xf32>
    %add3A_1075 = arith.constant 0.285714298 : f32
    %add3A_1076 = vector.broadcast %add3A_1075 : f32 to vector<16xf32>
    %add3A_1077 = arith.addf %add3A_1076, %mul3A_1074 : vector<16xf32>
    %mul3A_1078 = arith.mulf %mul3A_1067, %add3A_1077 : vector<16xf32>
    %add3A_1079 = arith.constant 4.000000e-01 : f32
    %add3A_1080 = vector.broadcast %add3A_1079 : f32 to vector<16xf32>
    %add3A_1081 = arith.addf %add3A_1080, %mul3A_1078 : vector<16xf32>
    %mul3A_1082 = arith.mulf %mul3A_1067, %add3A_1081 : vector<16xf32>
    %add3A_1083 = arith.constant 0.666666686 : f32
    %add3A_1084 = vector.broadcast %add3A_1083 : f32 to vector<16xf32>
    %add3A_1085 = arith.addf %add3A_1084, %mul3A_1082 : vector<16xf32>
    %mul3A_1086 = arith.mulf %mul3A_1067, %add3A_1085 : vector<16xf32>
    %add3A_1087 = arith.constant 2.000000e+00 : f32
    %add3A_1088 = vector.broadcast %add3A_1087 : f32 to vector<16xf32>
    %add3A_1089 = arith.addf %add3A_1088, %mul3A_1086 : vector<16xf32>
    %mul3A_1090 = arith.mulf %div3A_1066, %add3A_1089 : vector<16xf32>
    %min3A_1091 = arith.constant 0.000000e+00 : f32
    %min3A_1092 = vector.broadcast %min3A_1091 : f32 to vector<16xf32>
    %min3A_1093 = arith.minimumf %mul3A_1057, %min3A_1092 : vector<16xf32>
    %sub3A_1094 = arith.subf %min3A_1093, %mul3A_1090 : vector<16xf32>
    %eq3A_1095 = arith.constant 0.000000e+00 : f32
    %eq3A_1096 = vector.broadcast %eq3A_1095 : f32 to vector<16xf32>
    %eq3A_1097 = arith.cmpf oeq, %get3A_1053, %eq3A_1096 : vector<16xf32>
    %jit3A_1098 = arith.constant 0.000000e+00 : f32
    %broadcast_in_dim3A_1099 = vector.broadcast %jit3A_1098 : f32 to vector<16xf32>
    %select_n3A_1100 = arith.select %eq3A_1097, %broadcast_in_dim3A_1099, %sub3A_1094 : vector<16xi1>, vector<16xf32>
    %add3A_1101 = arith.addf %add3A_1050, %select_n3A_1100 : vector<16xf32>
    %get3A_1102 = arith.constant 320 : index
    %get3A_1103 = tpu.vector_load %arg7[%get3A_1102] {strides = array<i32>} : memref<512xf32, #tpu.memory_space<vmem>>, vector<16xf32>,
    %get3A_1104 = vector.shape_cast %get3A_1103 : vector<16xf32> to vector<16xf32>
    %get3A_1105 = arith.constant 320 : index
    %get3A_1106 = tpu.vector_load %arg8[%get3A_1105] {strides = array<i32>} : memref<512xf32, #tpu.memory_space<vmem>>, vector<16xf32>,
    %get3A_1107 = vector.shape_cast %get3A_1106 : vector<16xf32> to vector<16xf32>
    %mul3A_1108 = arith.mulf %get3A_1107, %get3A_1104 : vector<16xf32>
    %abs3A_1109 = math.absf %mul3A_1108 : vector<16xf32>
    %neg3A_1110 = arith.constant 0.000000e+00 : f32
    %neg3A_1111 = vector.broadcast %neg3A_1110 : f32 to vector<16xf32>
    %neg3A_1112 = arith.subf %neg3A_1111, %abs3A_1109 : vector<16xf32>
    %exp3A_1113 = math.exp %neg3A_1112 : vector<16xf32>
    %add3A_1114 = arith.constant 2.000000e+00 : f32
    %add3A_1115 = vector.broadcast %add3A_1114 : f32 to vector<16xf32>
    %add3A_1116 = arith.addf %add3A_1115, %exp3A_1113 : vector<16xf32>
    %div3A_1117 = arith.divf %exp3A_1113, %add3A_1116 : vector<16xf32>
    %mul3A_1118 = arith.mulf %div3A_1117, %div3A_1117 : vector<16xf32>
    %mul3A_1119 = arith.constant 0.181818187 : f32
    %mul3A_1120 = vector.broadcast %mul3A_1119 : f32 to vector<16xf32>
    %mul3A_1121 = arith.mulf %mul3A_1118, %mul3A_1120 : vector<16xf32>
    %add3A_1122 = arith.constant 0.222222224 : f32
    %add3A_1123 = vector.broadcast %add3A_1122 : f32 to vector<16xf32>
    %add3A_1124 = arith.addf %add3A_1123, %mul3A_1121 : vector<16xf32>
    %mul3A_1125 = arith.mulf %mul3A_1118, %add3A_1124 : vector<16xf32>
    %add3A_1126 = arith.constant 0.285714298 : f32
    %add3A_1127 = vector.broadcast %add3A_1126 : f32 to vector<16xf32>
    %add3A_1128 = arith.addf %add3A_1127, %mul3A_1125 : vector<16xf32>
    %mul3A_1129 = arith.mulf %mul3A_1118, %add3A_1128 : vector<16xf32>
    %add3A_1130 = arith.constant 4.000000e-01 : f32
    %add3A_1131 = vector.broadcast %add3A_1130 : f32 to vector<16xf32>
    %add3A_1132 = arith.addf %add3A_1131, %mul3A_1129 : vector<16xf32>
    %mul3A_1133 = arith.mulf %mul3A_1118, %add3A_1132 : vector<16xf32>
    %add3A_1134 = arith.constant 0.666666686 : f32
    %add3A_1135 = vector.broadcast %add3A_1134 : f32 to vector<16xf32>
    %add3A_1136 = arith.addf %add3A_1135, %mul3A_1133 : vector<16xf32>
    %mul3A_1137 = arith.mulf %mul3A_1118, %add3A_1136 : vector<16xf32>
    %add3A_1138 = arith.constant 2.000000e+00 : f32
    %add3A_1139 = vector.broadcast %add3A_1138 : f32 to vector<16xf32>
    %add3A_1140 = arith.addf %add3A_1139, %mul3A_1137 : vector<16xf32>
    %mul3A_1141 = arith.mulf %div3A_1117, %add3A_1140 : vector<16xf32>
    %min3A_1142 = arith.constant 0.000000e+00 : f32
    %min3A_1143 = vector.broadcast %min3A_1142 : f32 to vector<16xf32>
    %min3A_1144 = arith.minimumf %mul3A_1108, %min3A_1143 : vector<16xf32>
    %sub3A_1145 = arith.subf %min3A_1144, %mul3A_1141 : vector<16xf32>
    %eq3A_1146 = arith.constant 0.000000e+00 : f32
    %eq3A_1147 = vector.broadcast %eq3A_1146 : f32 to vector<16xf32>
    %eq3A_1148 = arith.cmpf oeq, %get3A_1104, %eq3A_1147 : vector<16xf32>
    %jit3A_1149 = arith.constant 0.000000e+00 : f32
    %broadcast_in_dim3A_1150 = vector.broadcast %jit3A_1149 : f32 to vector<16xf32>
    %select_n3A_1151 = arith.select %eq3A_1148, %broadcast_in_dim3A_1150, %sub3A_1145 : vector<16xi1>, vector<16xf32>
    %add3A_1152 = arith.addf %add3A_1101, %select_n3A_1151 : vector<16xf32>
    %get3A_1153 = arith.constant 336 : index
    %get3A_1154 = tpu.vector_load %arg7[%get3A_1153] {strides = array<i32>} : memref<512xf32, #tpu.memory_space<vmem>>, vector<16xf32>,
    %get3A_1155 = vector.shape_cast %get3A_1154 : vector<16xf32> to vector<16xf32>
    %get3A_1156 = arith.constant 336 : index
    %get3A_1157 = tpu.vector_load %arg8[%get3A_1156] {strides = array<i32>} : memref<512xf32, #tpu.memory_space<vmem>>, vector<16xf32>,
    %get3A_1158 = vector.shape_cast %get3A_1157 : vector<16xf32> to vector<16xf32>
    %mul3A_1159 = arith.mulf %get3A_1158, %get3A_1155 : vector<16xf32>
    %abs3A_1160 = math.absf %mul3A_1159 : vector<16xf32>
    %neg3A_1161 = arith.constant 0.000000e+00 : f32
    %neg3A_1162 = vector.broadcast %neg3A_1161 : f32 to vector<16xf32>
    %neg3A_1163 = arith.subf %neg3A_1162, %abs3A_1160 : vector<16xf32>
    %exp3A_1164 = math.exp %neg3A_1163 : vector<16xf32>
    %add3A_1165 = arith.constant 2.000000e+00 : f32
    %add3A_1166 = vector.broadcast %add3A_1165 : f32 to vector<16xf32>
    %add3A_1167 = arith.addf %add3A_1166, %exp3A_1164 : vector<16xf32>
    %div3A_1168 = arith.divf %exp3A_1164, %add3A_1167 : vector<16xf32>
    %mul3A_1169 = arith.mulf %div3A_1168, %div3A_1168 : vector<16xf32>
    %mul3A_1170 = arith.constant 0.181818187 : f32
    %mul3A_1171 = vector.broadcast %mul3A_1170 : f32 to vector<16xf32>
    %mul3A_1172 = arith.mulf %mul3A_1169, %mul3A_1171 : vector<16xf32>
    %add3A_1173 = arith.constant 0.222222224 : f32
    %add3A_1174 = vector.broadcast %add3A_1173 : f32 to vector<16xf32>
    %add3A_1175 = arith.addf %add3A_1174, %mul3A_1172 : vector<16xf32>
    %mul3A_1176 = arith.mulf %mul3A_1169, %add3A_1175 : vector<16xf32>
    %add3A_1177 = arith.constant 0.285714298 : f32
    %add3A_1178 = vector.broadcast %add3A_1177 : f32 to vector<16xf32>
    %add3A_1179 = arith.addf %add3A_1178, %mul3A_1176 : vector<16xf32>
    %mul3A_1180 = arith.mulf %mul3A_1169, %add3A_1179 : vector<16xf32>
    %add3A_1181 = arith.constant 4.000000e-01 : f32
    %add3A_1182 = vector.broadcast %add3A_1181 : f32 to vector<16xf32>
    %add3A_1183 = arith.addf %add3A_1182, %mul3A_1180 : vector<16xf32>
    %mul3A_1184 = arith.mulf %mul3A_1169, %add3A_1183 : vector<16xf32>
    %add3A_1185 = arith.constant 0.666666686 : f32
    %add3A_1186 = vector.broadcast %add3A_1185 : f32 to vector<16xf32>
    %add3A_1187 = arith.addf %add3A_1186, %mul3A_1184 : vector<16xf32>
    %mul3A_1188 = arith.mulf %mul3A_1169, %add3A_1187 : vector<16xf32>
    %add3A_1189 = arith.constant 2.000000e+00 : f32
    %add3A_1190 = vector.broadcast %add3A_1189 : f32 to vector<16xf32>
    %add3A_1191 = arith.addf %add3A_1190, %mul3A_1188 : vector<16xf32>
    %mul3A_1192 = arith.mulf %div3A_1168, %add3A_1191 : vector<16xf32>
    %min3A_1193 = arith.constant 0.000000e+00 : f32
    %min3A_1194 = vector.broadcast %min3A_1193 : f32 to vector<16xf32>
    %min3A_1195 = arith.minimumf %mul3A_1159, %min3A_1194 : vector<16xf32>
    %sub3A_1196 = arith.subf %min3A_1195, %mul3A_1192 : vector<16xf32>
    %eq3A_1197 = arith.constant 0.000000e+00 : f32
    %eq3A_1198 = vector.broadcast %eq3A_1197 : f32 to vector<16xf32>
    %eq3A_1199 = arith.cmpf oeq, %get3A_1155, %eq3A_1198 : vector<16xf32>
    %jit3A_1200 = arith.constant 0.000000e+00 : f32
    %broadcast_in_dim3A_1201 = vector.broadcast %jit3A_1200 : f32 to vector<16xf32>
    %select_n3A_1202 = arith.select %eq3A_1199, %broadcast_in_dim3A_1201, %sub3A_1196 : vector<16xi1>, vector<16xf32>
    %add3A_1203 = arith.addf %add3A_1152, %select_n3A_1202 : vector<16xf32>
    %get3A_1204 = arith.constant 352 : index
    %get3A_1205 = tpu.vector_load %arg7[%get3A_1204] {strides = array<i32>} : memref<512xf32, #tpu.memory_space<vmem>>, vector<16xf32>,
    %get3A_1206 = vector.shape_cast %get3A_1205 : vector<16xf32> to vector<16xf32>
    %get3A_1207 = arith.constant 352 : index
    %get3A_1208 = tpu.vector_load %arg8[%get3A_1207] {strides = array<i32>} : memref<512xf32, #tpu.memory_space<vmem>>, vector<16xf32>,
    %get3A_1209 = vector.shape_cast %get3A_1208 : vector<16xf32> to vector<16xf32>
    %mul3A_1210 = arith.mulf %get3A_1209, %get3A_1206 : vector<16xf32>
    %abs3A_1211 = math.absf %mul3A_1210 : vector<16xf32>
    %neg3A_1212 = arith.constant 0.000000e+00 : f32
    %neg3A_1213 = vector.broadcast %neg3A_1212 : f32 to vector<16xf32>
    %neg3A_1214 = arith.subf %neg3A_1213, %abs3A_1211 : vector<16xf32>
    %exp3A_1215 = math.exp %neg3A_1214 : vector<16xf32>
    %add3A_1216 = arith.constant 2.000000e+00 : f32
    %add3A_1217 = vector.broadcast %add3A_1216 : f32 to vector<16xf32>
    %add3A_1218 = arith.addf %add3A_1217, %exp3A_1215 : vector<16xf32>
    %div3A_1219 = arith.divf %exp3A_1215, %add3A_1218 : vector<16xf32>
    %mul3A_1220 = arith.mulf %div3A_1219, %div3A_1219 : vector<16xf32>
    %mul3A_1221 = arith.constant 0.181818187 : f32
    %mul3A_1222 = vector.broadcast %mul3A_1221 : f32 to vector<16xf32>
    %mul3A_1223 = arith.mulf %mul3A_1220, %mul3A_1222 : vector<16xf32>
    %add3A_1224 = arith.constant 0.222222224 : f32
    %add3A_1225 = vector.broadcast %add3A_1224 : f32 to vector<16xf32>
    %add3A_1226 = arith.addf %add3A_1225, %mul3A_1223 : vector<16xf32>
    %mul3A_1227 = arith.mulf %mul3A_1220, %add3A_1226 : vector<16xf32>
    %add3A_1228 = arith.constant 0.285714298 : f32
    %add3A_1229 = vector.broadcast %add3A_1228 : f32 to vector<16xf32>
    %add3A_1230 = arith.addf %add3A_1229, %mul3A_1227 : vector<16xf32>
    %mul3A_1231 = arith.mulf %mul3A_1220, %add3A_1230 : vector<16xf32>
    %add3A_1232 = arith.constant 4.000000e-01 : f32
    %add3A_1233 = vector.broadcast %add3A_1232 : f32 to vector<16xf32>
    %add3A_1234 = arith.addf %add3A_1233, %mul3A_1231 : vector<16xf32>
    %mul3A_1235 = arith.mulf %mul3A_1220, %add3A_1234 : vector<16xf32>
    %add3A_1236 = arith.constant 0.666666686 : f32
    %add3A_1237 = vector.broadcast %add3A_1236 : f32 to vector<16xf32>
    %add3A_1238 = arith.addf %add3A_1237, %mul3A_1235 : vector<16xf32>
    %mul3A_1239 = arith.mulf %mul3A_1220, %add3A_1238 : vector<16xf32>
    %add3A_1240 = arith.constant 2.000000e+00 : f32
    %add3A_1241 = vector.broadcast %add3A_1240 : f32 to vector<16xf32>
    %add3A_1242 = arith.addf %add3A_1241, %mul3A_1239 : vector<16xf32>
    %mul3A_1243 = arith.mulf %div3A_1219, %add3A_1242 : vector<16xf32>
    %min3A_1244 = arith.constant 0.000000e+00 : f32
    %min3A_1245 = vector.broadcast %min3A_1244 : f32 to vector<16xf32>
    %min3A_1246 = arith.minimumf %mul3A_1210, %min3A_1245 : vector<16xf32>
    %sub3A_1247 = arith.subf %min3A_1246, %mul3A_1243 : vector<16xf32>
    %eq3A_1248 = arith.constant 0.000000e+00 : f32
    %eq3A_1249 = vector.broadcast %eq3A_1248 : f32 to vector<16xf32>
    %eq3A_1250 = arith.cmpf oeq, %get3A_1206, %eq3A_1249 : vector<16xf32>
    %jit3A_1251 = arith.constant 0.000000e+00 : f32
    %broadcast_in_dim3A_1252 = vector.broadcast %jit3A_1251 : f32 to vector<16xf32>
    %select_n3A_1253 = arith.select %eq3A_1250, %broadcast_in_dim3A_1252, %sub3A_1247 : vector<16xi1>, vector<16xf32>
    %add3A_1254 = arith.addf %add3A_1203, %select_n3A_1253 : vector<16xf32>
    %get3A_1255 = arith.constant 368 : index
    %get3A_1256 = tpu.vector_load %arg7[%get3A_1255] {strides = array<i32>} : memref<512xf32, #tpu.memory_space<vmem>>, vector<16xf32>,
    %get3A_1257 = vector.shape_cast %get3A_1256 : vector<16xf32> to vector<16xf32>
    %get3A_1258 = arith.constant 368 : index
    %get3A_1259 = tpu.vector_load %arg8[%get3A_1258] {strides = array<i32>} : memref<512xf32, #tpu.memory_space<vmem>>, vector<16xf32>,
    %get3A_1260 = vector.shape_cast %get3A_1259 : vector<16xf32> to vector<16xf32>
    %mul3A_1261 = arith.mulf %get3A_1260, %get3A_1257 : vector<16xf32>
    %abs3A_1262 = math.absf %mul3A_1261 : vector<16xf32>
    %neg3A_1263 = arith.constant 0.000000e+00 : f32
    %neg3A_1264 = vector.broadcast %neg3A_1263 : f32 to vector<16xf32>
    %neg3A_1265 = arith.subf %neg3A_1264, %abs3A_1262 : vector<16xf32>
    %exp3A_1266 = math.exp %neg3A_1265 : vector<16xf32>
    %add3A_1267 = arith.constant 2.000000e+00 : f32
    %add3A_1268 = vector.broadcast %add3A_1267 : f32 to vector<16xf32>
    %add3A_1269 = arith.addf %add3A_1268, %exp3A_1266 : vector<16xf32>
    %div3A_1270 = arith.divf %exp3A_1266, %add3A_1269 : vector<16xf32>
    %mul3A_1271 = arith.mulf %div3A_1270, %div3A_1270 : vector<16xf32>
    %mul3A_1272 = arith.constant 0.181818187 : f32
    %mul3A_1273 = vector.broadcast %mul3A_1272 : f32 to vector<16xf32>
    %mul3A_1274 = arith.mulf %mul3A_1271, %mul3A_1273 : vector<16xf32>
    %add3A_1275 = arith.constant 0.222222224 : f32
    %add3A_1276 = vector.broadcast %add3A_1275 : f32 to vector<16xf32>
    %add3A_1277 = arith.addf %add3A_1276, %mul3A_1274 : vector<16xf32>
    %mul3A_1278 = arith.mulf %mul3A_1271, %add3A_1277 : vector<16xf32>
    %add3A_1279 = arith.constant 0.285714298 : f32
    %add3A_1280 = vector.broadcast %add3A_1279 : f32 to vector<16xf32>
    %add3A_1281 = arith.addf %add3A_1280, %mul3A_1278 : vector<16xf32>
    %mul3A_1282 = arith.mulf %mul3A_1271, %add3A_1281 : vector<16xf32>
    %add3A_1283 = arith.constant 4.000000e-01 : f32
    %add3A_1284 = vector.broadcast %add3A_1283 : f32 to vector<16xf32>
    %add3A_1285 = arith.addf %add3A_1284, %mul3A_1282 : vector<16xf32>
    %mul3A_1286 = arith.mulf %mul3A_1271, %add3A_1285 : vector<16xf32>
    %add3A_1287 = arith.constant 0.666666686 : f32
    %add3A_1288 = vector.broadcast %add3A_1287 : f32 to vector<16xf32>
    %add3A_1289 = arith.addf %add3A_1288, %mul3A_1286 : vector<16xf32>
    %mul3A_1290 = arith.mulf %mul3A_1271, %add3A_1289 : vector<16xf32>
    %add3A_1291 = arith.constant 2.000000e+00 : f32
    %add3A_1292 = vector.broadcast %add3A_1291 : f32 to vector<16xf32>
    %add3A_1293 = arith.addf %add3A_1292, %mul3A_1290 : vector<16xf32>
    %mul3A_1294 = arith.mulf %div3A_1270, %add3A_1293 : vector<16xf32>
    %min3A_1295 = arith.constant 0.000000e+00 : f32
    %min3A_1296 = vector.broadcast %min3A_1295 : f32 to vector<16xf32>
    %min3A_1297 = arith.minimumf %mul3A_1261, %min3A_1296 : vector<16xf32>
    %sub3A_1298 = arith.subf %min3A_1297, %mul3A_1294 : vector<16xf32>
    %eq3A_1299 = arith.constant 0.000000e+00 : f32
    %eq3A_1300 = vector.broadcast %eq3A_1299 : f32 to vector<16xf32>
    %eq3A_1301 = arith.cmpf oeq, %get3A_1257, %eq3A_1300 : vector<16xf32>
    %jit3A_1302 = arith.constant 0.000000e+00 : f32
    %broadcast_in_dim3A_1303 = vector.broadcast %jit3A_1302 : f32 to vector<16xf32>
    %select_n3A_1304 = arith.select %eq3A_1301, %broadcast_in_dim3A_1303, %sub3A_1298 : vector<16xi1>, vector<16xf32>
    %add3A_1305 = arith.addf %add3A_1254, %select_n3A_1304 : vector<16xf32>
    %get3A_1306 = arith.constant 384 : index
    %get3A_1307 = tpu.vector_load %arg7[%get3A_1306] {strides = array<i32>} : memref<512xf32, #tpu.memory_space<vmem>>, vector<16xf32>,
    %get3A_1308 = vector.shape_cast %get3A_1307 : vector<16xf32> to vector<16xf32>
    %get3A_1309 = arith.constant 384 : index
    %get3A_1310 = tpu.vector_load %arg8[%get3A_1309] {strides = array<i32>} : memref<512xf32, #tpu.memory_space<vmem>>, vector<16xf32>,
    %get3A_1311 = vector.shape_cast %get3A_1310 : vector<16xf32> to vector<16xf32>
    %mul3A_1312 = arith.mulf %get3A_1311, %get3A_1308 : vector<16xf32>
    %abs3A_1313 = math.absf %mul3A_1312 : vector<16xf32>
    %neg3A_1314 = arith.constant 0.000000e+00 : f32
    %neg3A_1315 = vector.broadcast %neg3A_1314 : f32 to vector<16xf32>
    %neg3A_1316 = arith.subf %neg3A_1315, %abs3A_1313 : vector<16xf32>
    %exp3A_1317 = math.exp %neg3A_1316 : vector<16xf32>
    %add3A_1318 = arith.constant 2.000000e+00 : f32
    %add3A_1319 = vector.broadcast %add3A_1318 : f32 to vector<16xf32>
    %add3A_1320 = arith.addf %add3A_1319, %exp3A_1317 : vector<16xf32>
    %div3A_1321 = arith.divf %exp3A_1317, %add3A_1320 : vector<16xf32>
    %mul3A_1322 = arith.mulf %div3A_1321, %div3A_1321 : vector<16xf32>
    %mul3A_1323 = arith.constant 0.181818187 : f32
    %mul3A_1324 = vector.broadcast %mul3A_1323 : f32 to vector<16xf32>
    %mul3A_1325 = arith.mulf %mul3A_1322, %mul3A_1324 : vector<16xf32>
    %add3A_1326 = arith.constant 0.222222224 : f32
    %add3A_1327 = vector.broadcast %add3A_1326 : f32 to vector<16xf32>
    %add3A_1328 = arith.addf %add3A_1327, %mul3A_1325 : vector<16xf32>
    %mul3A_1329 = arith.mulf %mul3A_1322, %add3A_1328 : vector<16xf32>
    %add3A_1330 = arith.constant 0.285714298 : f32
    %add3A_1331 = vector.broadcast %add3A_1330 : f32 to vector<16xf32>
    %add3A_1332 = arith.addf %add3A_1331, %mul3A_1329 : vector<16xf32>
    %mul3A_1333 = arith.mulf %mul3A_1322, %add3A_1332 : vector<16xf32>
    %add3A_1334 = arith.constant 4.000000e-01 : f32
    %add3A_1335 = vector.broadcast %add3A_1334 : f32 to vector<16xf32>
    %add3A_1336 = arith.addf %add3A_1335, %mul3A_1333 : vector<16xf32>
    %mul3A_1337 = arith.mulf %mul3A_1322, %add3A_1336 : vector<16xf32>
    %add3A_1338 = arith.constant 0.666666686 : f32
    %add3A_1339 = vector.broadcast %add3A_1338 : f32 to vector<16xf32>
    %add3A_1340 = arith.addf %add3A_1339, %mul3A_1337 : vector<16xf32>
    %mul3A_1341 = arith.mulf %mul3A_1322, %add3A_1340 : vector<16xf32>
    %add3A_1342 = arith.constant 2.000000e+00 : f32
    %add3A_1343 = vector.broadcast %add3A_1342 : f32 to vector<16xf32>
    %add3A_1344 = arith.addf %add3A_1343, %mul3A_1341 : vector<16xf32>
    %mul3A_1345 = arith.mulf %div3A_1321, %add3A_1344 : vector<16xf32>
    %min3A_1346 = arith.constant 0.000000e+00 : f32
    %min3A_1347 = vector.broadcast %min3A_1346 : f32 to vector<16xf32>
    %min3A_1348 = arith.minimumf %mul3A_1312, %min3A_1347 : vector<16xf32>
    %sub3A_1349 = arith.subf %min3A_1348, %mul3A_1345 : vector<16xf32>
    %eq3A_1350 = arith.constant 0.000000e+00 : f32
    %eq3A_1351 = vector.broadcast %eq3A_1350 : f32 to vector<16xf32>
    %eq3A_1352 = arith.cmpf oeq, %get3A_1308, %eq3A_1351 : vector<16xf32>
    %jit3A_1353 = arith.constant 0.000000e+00 : f32
    %broadcast_in_dim3A_1354 = vector.broadcast %jit3A_1353 : f32 to vector<16xf32>
    %select_n3A_1355 = arith.select %eq3A_1352, %broadcast_in_dim3A_1354, %sub3A_1349 : vector<16xi1>, vector<16xf32>
    %add3A_1356 = arith.addf %add3A_1305, %select_n3A_1355 : vector<16xf32>
    %get3A_1357 = arith.constant 400 : index
    %get3A_1358 = tpu.vector_load %arg7[%get3A_1357] {strides = array<i32>} : memref<512xf32, #tpu.memory_space<vmem>>, vector<16xf32>,
    %get3A_1359 = vector.shape_cast %get3A_1358 : vector<16xf32> to vector<16xf32>
    %get3A_1360 = arith.constant 400 : index
    %get3A_1361 = tpu.vector_load %arg8[%get3A_1360] {strides = array<i32>} : memref<512xf32, #tpu.memory_space<vmem>>, vector<16xf32>,
    %get3A_1362 = vector.shape_cast %get3A_1361 : vector<16xf32> to vector<16xf32>
    %mul3A_1363 = arith.mulf %get3A_1362, %get3A_1359 : vector<16xf32>
    %abs3A_1364 = math.absf %mul3A_1363 : vector<16xf32>
    %neg3A_1365 = arith.constant 0.000000e+00 : f32
    %neg3A_1366 = vector.broadcast %neg3A_1365 : f32 to vector<16xf32>
    %neg3A_1367 = arith.subf %neg3A_1366, %abs3A_1364 : vector<16xf32>
    %exp3A_1368 = math.exp %neg3A_1367 : vector<16xf32>
    %add3A_1369 = arith.constant 2.000000e+00 : f32
    %add3A_1370 = vector.broadcast %add3A_1369 : f32 to vector<16xf32>
    %add3A_1371 = arith.addf %add3A_1370, %exp3A_1368 : vector<16xf32>
    %div3A_1372 = arith.divf %exp3A_1368, %add3A_1371 : vector<16xf32>
    %mul3A_1373 = arith.mulf %div3A_1372, %div3A_1372 : vector<16xf32>
    %mul3A_1374 = arith.constant 0.181818187 : f32
    %mul3A_1375 = vector.broadcast %mul3A_1374 : f32 to vector<16xf32>
    %mul3A_1376 = arith.mulf %mul3A_1373, %mul3A_1375 : vector<16xf32>
    %add3A_1377 = arith.constant 0.222222224 : f32
    %add3A_1378 = vector.broadcast %add3A_1377 : f32 to vector<16xf32>
    %add3A_1379 = arith.addf %add3A_1378, %mul3A_1376 : vector<16xf32>
    %mul3A_1380 = arith.mulf %mul3A_1373, %add3A_1379 : vector<16xf32>
    %add3A_1381 = arith.constant 0.285714298 : f32
    %add3A_1382 = vector.broadcast %add3A_1381 : f32 to vector<16xf32>
    %add3A_1383 = arith.addf %add3A_1382, %mul3A_1380 : vector<16xf32>
    %mul3A_1384 = arith.mulf %mul3A_1373, %add3A_1383 : vector<16xf32>
    %add3A_1385 = arith.constant 4.000000e-01 : f32
    %add3A_1386 = vector.broadcast %add3A_1385 : f32 to vector<16xf32>
    %add3A_1387 = arith.addf %add3A_1386, %mul3A_1384 : vector<16xf32>
    %mul3A_1388 = arith.mulf %mul3A_1373, %add3A_1387 : vector<16xf32>
    %add3A_1389 = arith.constant 0.666666686 : f32
    %add3A_1390 = vector.broadcast %add3A_1389 : f32 to vector<16xf32>
    %add3A_1391 = arith.addf %add3A_1390, %mul3A_1388 : vector<16xf32>
    %mul3A_1392 = arith.mulf %mul3A_1373, %add3A_1391 : vector<16xf32>
    %add3A_1393 = arith.constant 2.000000e+00 : f32
    %add3A_1394 = vector.broadcast %add3A_1393 : f32 to vector<16xf32>
    %add3A_1395 = arith.addf %add3A_1394, %mul3A_1392 : vector<16xf32>
    %mul3A_1396 = arith.mulf %div3A_1372, %add3A_1395 : vector<16xf32>
    %min3A_1397 = arith.constant 0.000000e+00 : f32
    %min3A_1398 = vector.broadcast %min3A_1397 : f32 to vector<16xf32>
    %min3A_1399 = arith.minimumf %mul3A_1363, %min3A_1398 : vector<16xf32>
    %sub3A_1400 = arith.subf %min3A_1399, %mul3A_1396 : vector<16xf32>
    %eq3A_1401 = arith.constant 0.000000e+00 : f32
    %eq3A_1402 = vector.broadcast %eq3A_1401 : f32 to vector<16xf32>
    %eq3A_1403 = arith.cmpf oeq, %get3A_1359, %eq3A_1402 : vector<16xf32>
    %jit3A_1404 = arith.constant 0.000000e+00 : f32
    %broadcast_in_dim3A_1405 = vector.broadcast %jit3A_1404 : f32 to vector<16xf32>
    %select_n3A_1406 = arith.select %eq3A_1403, %broadcast_in_dim3A_1405, %sub3A_1400 : vector<16xi1>, vector<16xf32>
    %add3A_1407 = arith.addf %add3A_1356, %select_n3A_1406 : vector<16xf32>
    %get3A_1408 = arith.constant 416 : index
    %get3A_1409 = tpu.vector_load %arg7[%get3A_1408] {strides = array<i32>} : memref<512xf32, #tpu.memory_space<vmem>>, vector<16xf32>,
    %get3A_1410 = vector.shape_cast %get3A_1409 : vector<16xf32> to vector<16xf32>
    %get3A_1411 = arith.constant 416 : index
    %get3A_1412 = tpu.vector_load %arg8[%get3A_1411] {strides = array<i32>} : memref<512xf32, #tpu.memory_space<vmem>>, vector<16xf32>,
    %get3A_1413 = vector.shape_cast %get3A_1412 : vector<16xf32> to vector<16xf32>
    %mul3A_1414 = arith.mulf %get3A_1413, %get3A_1410 : vector<16xf32>
    %abs3A_1415 = math.absf %mul3A_1414 : vector<16xf32>
    %neg3A_1416 = arith.constant 0.000000e+00 : f32
    %neg3A_1417 = vector.broadcast %neg3A_1416 : f32 to vector<16xf32>
    %neg3A_1418 = arith.subf %neg3A_1417, %abs3A_1415 : vector<16xf32>
    %exp3A_1419 = math.exp %neg3A_1418 : vector<16xf32>
    %add3A_1420 = arith.constant 2.000000e+00 : f32
    %add3A_1421 = vector.broadcast %add3A_1420 : f32 to vector<16xf32>
    %add3A_1422 = arith.addf %add3A_1421, %exp3A_1419 : vector<16xf32>
    %div3A_1423 = arith.divf %exp3A_1419, %add3A_1422 : vector<16xf32>
    %mul3A_1424 = arith.mulf %div3A_1423, %div3A_1423 : vector<16xf32>
    %mul3A_1425 = arith.constant 0.181818187 : f32
    %mul3A_1426 = vector.broadcast %mul3A_1425 : f32 to vector<16xf32>
    %mul3A_1427 = arith.mulf %mul3A_1424, %mul3A_1426 : vector<16xf32>
    %add3A_1428 = arith.constant 0.222222224 : f32
    %add3A_1429 = vector.broadcast %add3A_1428 : f32 to vector<16xf32>
    %add3A_1430 = arith.addf %add3A_1429, %mul3A_1427 : vector<16xf32>
    %mul3A_1431 = arith.mulf %mul3A_1424, %add3A_1430 : vector<16xf32>
    %add3A_1432 = arith.constant 0.285714298 : f32
    %add3A_1433 = vector.broadcast %add3A_1432 : f32 to vector<16xf32>
    %add3A_1434 = arith.addf %add3A_1433, %mul3A_1431 : vector<16xf32>
    %mul3A_1435 = arith.mulf %mul3A_1424, %add3A_1434 : vector<16xf32>
    %add3A_1436 = arith.constant 4.000000e-01 : f32
    %add3A_1437 = vector.broadcast %add3A_1436 : f32 to vector<16xf32>
    %add3A_1438 = arith.addf %add3A_1437, %mul3A_1435 : vector<16xf32>
    %mul3A_1439 = arith.mulf %mul3A_1424, %add3A_1438 : vector<16xf32>
    %add3A_1440 = arith.constant 0.666666686 : f32
    %add3A_1441 = vector.broadcast %add3A_1440 : f32 to vector<16xf32>
    %add3A_1442 = arith.addf %add3A_1441, %mul3A_1439 : vector<16xf32>
    %mul3A_1443 = arith.mulf %mul3A_1424, %add3A_1442 : vector<16xf32>
    %add3A_1444 = arith.constant 2.000000e+00 : f32
    %add3A_1445 = vector.broadcast %add3A_1444 : f32 to vector<16xf32>
    %add3A_1446 = arith.addf %add3A_1445, %mul3A_1443 : vector<16xf32>
    %mul3A_1447 = arith.mulf %div3A_1423, %add3A_1446 : vector<16xf32>
    %min3A_1448 = arith.constant 0.000000e+00 : f32
    %min3A_1449 = vector.broadcast %min3A_1448 : f32 to vector<16xf32>
    %min3A_1450 = arith.minimumf %mul3A_1414, %min3A_1449 : vector<16xf32>
    %sub3A_1451 = arith.subf %min3A_1450, %mul3A_1447 : vector<16xf32>
    %eq3A_1452 = arith.constant 0.000000e+00 : f32
    %eq3A_1453 = vector.broadcast %eq3A_1452 : f32 to vector<16xf32>
    %eq3A_1454 = arith.cmpf oeq, %get3A_1410, %eq3A_1453 : vector<16xf32>
    %jit3A_1455 = arith.constant 0.000000e+00 : f32
    %broadcast_in_dim3A_1456 = vector.broadcast %jit3A_1455 : f32 to vector<16xf32>
    %select_n3A_1457 = arith.select %eq3A_1454, %broadcast_in_dim3A_1456, %sub3A_1451 : vector<16xi1>, vector<16xf32>
    %add3A_1458 = arith.addf %add3A_1407, %select_n3A_1457 : vector<16xf32>
    %get3A_1459 = arith.constant 432 : index
    %get3A_1460 = tpu.vector_load %arg7[%get3A_1459] {strides = array<i32>} : memref<512xf32, #tpu.memory_space<vmem>>, vector<16xf32>,
    %get3A_1461 = vector.shape_cast %get3A_1460 : vector<16xf32> to vector<16xf32>
    %get3A_1462 = arith.constant 432 : index
    %get3A_1463 = tpu.vector_load %arg8[%get3A_1462] {strides = array<i32>} : memref<512xf32, #tpu.memory_space<vmem>>, vector<16xf32>,
    %get3A_1464 = vector.shape_cast %get3A_1463 : vector<16xf32> to vector<16xf32>
    %mul3A_1465 = arith.mulf %get3A_1464, %get3A_1461 : vector<16xf32>
    %abs3A_1466 = math.absf %mul3A_1465 : vector<16xf32>
    %neg3A_1467 = arith.constant 0.000000e+00 : f32
    %neg3A_1468 = vector.broadcast %neg3A_1467 : f32 to vector<16xf32>
    %neg3A_1469 = arith.subf %neg3A_1468, %abs3A_1466 : vector<16xf32>
    %exp3A_1470 = math.exp %neg3A_1469 : vector<16xf32>
    %add3A_1471 = arith.constant 2.000000e+00 : f32
    %add3A_1472 = vector.broadcast %add3A_1471 : f32 to vector<16xf32>
    %add3A_1473 = arith.addf %add3A_1472, %exp3A_1470 : vector<16xf32>
    %div3A_1474 = arith.divf %exp3A_1470, %add3A_1473 : vector<16xf32>
    %mul3A_1475 = arith.mulf %div3A_1474, %div3A_1474 : vector<16xf32>
    %mul3A_1476 = arith.constant 0.181818187 : f32
    %mul3A_1477 = vector.broadcast %mul3A_1476 : f32 to vector<16xf32>
    %mul3A_1478 = arith.mulf %mul3A_1475, %mul3A_1477 : vector<16xf32>
    %add3A_1479 = arith.constant 0.222222224 : f32
    %add3A_1480 = vector.broadcast %add3A_1479 : f32 to vector<16xf32>
    %add3A_1481 = arith.addf %add3A_1480, %mul3A_1478 : vector<16xf32>
    %mul3A_1482 = arith.mulf %mul3A_1475, %add3A_1481 : vector<16xf32>
    %add3A_1483 = arith.constant 0.285714298 : f32
    %add3A_1484 = vector.broadcast %add3A_1483 : f32 to vector<16xf32>
    %add3A_1485 = arith.addf %add3A_1484, %mul3A_1482 : vector<16xf32>
    %mul3A_1486 = arith.mulf %mul3A_1475, %add3A_1485 : vector<16xf32>
    %add3A_1487 = arith.constant 4.000000e-01 : f32
    %add3A_1488 = vector.broadcast %add3A_1487 : f32 to vector<16xf32>
    %add3A_1489 = arith.addf %add3A_1488, %mul3A_1486 : vector<16xf32>
    %mul3A_1490 = arith.mulf %mul3A_1475, %add3A_1489 : vector<16xf32>
    %add3A_1491 = arith.constant 0.666666686 : f32
    %add3A_1492 = vector.broadcast %add3A_1491 : f32 to vector<16xf32>
    %add3A_1493 = arith.addf %add3A_1492, %mul3A_1490 : vector<16xf32>
    %mul3A_1494 = arith.mulf %mul3A_1475, %add3A_1493 : vector<16xf32>
    %add3A_1495 = arith.constant 2.000000e+00 : f32
    %add3A_1496 = vector.broadcast %add3A_1495 : f32 to vector<16xf32>
    %add3A_1497 = arith.addf %add3A_1496, %mul3A_1494 : vector<16xf32>
    %mul3A_1498 = arith.mulf %div3A_1474, %add3A_1497 : vector<16xf32>
    %min3A_1499 = arith.constant 0.000000e+00 : f32
    %min3A_1500 = vector.broadcast %min3A_1499 : f32 to vector<16xf32>
    %min3A_1501 = arith.minimumf %mul3A_1465, %min3A_1500 : vector<16xf32>
    %sub3A_1502 = arith.subf %min3A_1501, %mul3A_1498 : vector<16xf32>
    %eq3A_1503 = arith.constant 0.000000e+00 : f32
    %eq3A_1504 = vector.broadcast %eq3A_1503 : f32 to vector<16xf32>
    %eq3A_1505 = arith.cmpf oeq, %get3A_1461, %eq3A_1504 : vector<16xf32>
    %jit3A_1506 = arith.constant 0.000000e+00 : f32
    %broadcast_in_dim3A_1507 = vector.broadcast %jit3A_1506 : f32 to vector<16xf32>
    %select_n3A_1508 = arith.select %eq3A_1505, %broadcast_in_dim3A_1507, %sub3A_1502 : vector<16xi1>, vector<16xf32>
    %add3A_1509 = arith.addf %add3A_1458, %select_n3A_1508 : vector<16xf32>
    %get3A_1510 = arith.constant 448 : index
    %get3A_1511 = tpu.vector_load %arg7[%get3A_1510] {strides = array<i32>} : memref<512xf32, #tpu.memory_space<vmem>>, vector<16xf32>,
    %get3A_1512 = vector.shape_cast %get3A_1511 : vector<16xf32> to vector<16xf32>
    %get3A_1513 = arith.constant 448 : index
    %get3A_1514 = tpu.vector_load %arg8[%get3A_1513] {strides = array<i32>} : memref<512xf32, #tpu.memory_space<vmem>>, vector<16xf32>,
    %get3A_1515 = vector.shape_cast %get3A_1514 : vector<16xf32> to vector<16xf32>
    %mul3A_1516 = arith.mulf %get3A_1515, %get3A_1512 : vector<16xf32>
    %abs3A_1517 = math.absf %mul3A_1516 : vector<16xf32>
    %neg3A_1518 = arith.constant 0.000000e+00 : f32
    %neg3A_1519 = vector.broadcast %neg3A_1518 : f32 to vector<16xf32>
    %neg3A_1520 = arith.subf %neg3A_1519, %abs3A_1517 : vector<16xf32>
    %exp3A_1521 = math.exp %neg3A_1520 : vector<16xf32>
    %add3A_1522 = arith.constant 2.000000e+00 : f32
    %add3A_1523 = vector.broadcast %add3A_1522 : f32 to vector<16xf32>
    %add3A_1524 = arith.addf %add3A_1523, %exp3A_1521 : vector<16xf32>
    %div3A_1525 = arith.divf %exp3A_1521, %add3A_1524 : vector<16xf32>
    %mul3A_1526 = arith.mulf %div3A_1525, %div3A_1525 : vector<16xf32>
    %mul3A_1527 = arith.constant 0.181818187 : f32
    %mul3A_1528 = vector.broadcast %mul3A_1527 : f32 to vector<16xf32>
    %mul3A_1529 = arith.mulf %mul3A_1526, %mul3A_1528 : vector<16xf32>
    %add3A_1530 = arith.constant 0.222222224 : f32
    %add3A_1531 = vector.broadcast %add3A_1530 : f32 to vector<16xf32>
    %add3A_1532 = arith.addf %add3A_1531, %mul3A_1529 : vector<16xf32>
    %mul3A_1533 = arith.mulf %mul3A_1526, %add3A_1532 : vector<16xf32>
    %add3A_1534 = arith.constant 0.285714298 : f32
    %add3A_1535 = vector.broadcast %add3A_1534 : f32 to vector<16xf32>
    %add3A_1536 = arith.addf %add3A_1535, %mul3A_1533 : vector<16xf32>
    %mul3A_1537 = arith.mulf %mul3A_1526, %add3A_1536 : vector<16xf32>
    %add3A_1538 = arith.constant 4.000000e-01 : f32
    %add3A_1539 = vector.broadcast %add3A_1538 : f32 to vector<16xf32>
    %add3A_1540 = arith.addf %add3A_1539, %mul3A_1537 : vector<16xf32>
    %mul3A_1541 = arith.mulf %mul3A_1526, %add3A_1540 : vector<16xf32>
    %add3A_1542 = arith.constant 0.666666686 : f32
    %add3A_1543 = vector.broadcast %add3A_1542 : f32 to vector<16xf32>
    %add3A_1544 = arith.addf %add3A_1543, %mul3A_1541 : vector<16xf32>
    %mul3A_1545 = arith.mulf %mul3A_1526, %add3A_1544 : vector<16xf32>
    %add3A_1546 = arith.constant 2.000000e+00 : f32
    %add3A_1547 = vector.broadcast %add3A_1546 : f32 to vector<16xf32>
    %add3A_1548 = arith.addf %add3A_1547, %mul3A_1545 : vector<16xf32>
    %mul3A_1549 = arith.mulf %div3A_1525, %add3A_1548 : vector<16xf32>
    %min3A_1550 = arith.constant 0.000000e+00 : f32
    %min3A_1551 = vector.broadcast %min3A_1550 : f32 to vector<16xf32>
    %min3A_1552 = arith.minimumf %mul3A_1516, %min3A_1551 : vector<16xf32>
    %sub3A_1553 = arith.subf %min3A_1552, %mul3A_1549 : vector<16xf32>
    %eq3A_1554 = arith.constant 0.000000e+00 : f32
    %eq3A_1555 = vector.broadcast %eq3A_1554 : f32 to vector<16xf32>
    %eq3A_1556 = arith.cmpf oeq, %get3A_1512, %eq3A_1555 : vector<16xf32>
    %jit3A_1557 = arith.constant 0.000000e+00 : f32
    %broadcast_in_dim3A_1558 = vector.broadcast %jit3A_1557 : f32 to vector<16xf32>
    %select_n3A_1559 = arith.select %eq3A_1556, %broadcast_in_dim3A_1558, %sub3A_1553 : vector<16xi1>, vector<16xf32>
    %add3A_1560 = arith.addf %add3A_1509, %select_n3A_1559 : vector<16xf32>
    %get3A_1561 = arith.constant 464 : index
    %get3A_1562 = tpu.vector_load %arg7[%get3A_1561] {strides = array<i32>} : memref<512xf32, #tpu.memory_space<vmem>>, vector<16xf32>,
    %get3A_1563 = vector.shape_cast %get3A_1562 : vector<16xf32> to vector<16xf32>
    %get3A_1564 = arith.constant 464 : index
    %get3A_1565 = tpu.vector_load %arg8[%get3A_1564] {strides = array<i32>} : memref<512xf32, #tpu.memory_space<vmem>>, vector<16xf32>,
    %get3A_1566 = vector.shape_cast %get3A_1565 : vector<16xf32> to vector<16xf32>
    %mul3A_1567 = arith.mulf %get3A_1566, %get3A_1563 : vector<16xf32>
    %abs3A_1568 = math.absf %mul3A_1567 : vector<16xf32>
    %neg3A_1569 = arith.constant 0.000000e+00 : f32
    %neg3A_1570 = vector.broadcast %neg3A_1569 : f32 to vector<16xf32>
    %neg3A_1571 = arith.subf %neg3A_1570, %abs3A_1568 : vector<16xf32>
    %exp3A_1572 = math.exp %neg3A_1571 : vector<16xf32>
    %add3A_1573 = arith.constant 2.000000e+00 : f32
    %add3A_1574 = vector.broadcast %add3A_1573 : f32 to vector<16xf32>
    %add3A_1575 = arith.addf %add3A_1574, %exp3A_1572 : vector<16xf32>
    %div3A_1576 = arith.divf %exp3A_1572, %add3A_1575 : vector<16xf32>
    %mul3A_1577 = arith.mulf %div3A_1576, %div3A_1576 : vector<16xf32>
    %mul3A_1578 = arith.constant 0.181818187 : f32
    %mul3A_1579 = vector.broadcast %mul3A_1578 : f32 to vector<16xf32>
    %mul3A_1580 = arith.mulf %mul3A_1577, %mul3A_1579 : vector<16xf32>
    %add3A_1581 = arith.constant 0.222222224 : f32
    %add3A_1582 = vector.broadcast %add3A_1581 : f32 to vector<16xf32>
    %add3A_1583 = arith.addf %add3A_1582, %mul3A_1580 : vector<16xf32>
    %mul3A_1584 = arith.mulf %mul3A_1577, %add3A_1583 : vector<16xf32>
    %add3A_1585 = arith.constant 0.285714298 : f32
    %add3A_1586 = vector.broadcast %add3A_1585 : f32 to vector<16xf32>
    %add3A_1587 = arith.addf %add3A_1586, %mul3A_1584 : vector<16xf32>
    %mul3A_1588 = arith.mulf %mul3A_1577, %add3A_1587 : vector<16xf32>
    %add3A_1589 = arith.constant 4.000000e-01 : f32
    %add3A_1590 = vector.broadcast %add3A_1589 : f32 to vector<16xf32>
    %add3A_1591 = arith.addf %add3A_1590, %mul3A_1588 : vector<16xf32>
    %mul3A_1592 = arith.mulf %mul3A_1577, %add3A_1591 : vector<16xf32>
    %add3A_1593 = arith.constant 0.666666686 : f32
    %add3A_1594 = vector.broadcast %add3A_1593 : f32 to vector<16xf32>
    %add3A_1595 = arith.addf %add3A_1594, %mul3A_1592 : vector<16xf32>
    %mul3A_1596 = arith.mulf %mul3A_1577, %add3A_1595 : vector<16xf32>
    %add3A_1597 = arith.constant 2.000000e+00 : f32
    %add3A_1598 = vector.broadcast %add3A_1597 : f32 to vector<16xf32>
    %add3A_1599 = arith.addf %add3A_1598, %mul3A_1596 : vector<16xf32>
    %mul3A_1600 = arith.mulf %div3A_1576, %add3A_1599 : vector<16xf32>
    %min3A_1601 = arith.constant 0.000000e+00 : f32
    %min3A_1602 = vector.broadcast %min3A_1601 : f32 to vector<16xf32>
    %min3A_1603 = arith.minimumf %mul3A_1567, %min3A_1602 : vector<16xf32>
    %sub3A_1604 = arith.subf %min3A_1603, %mul3A_1600 : vector<16xf32>
    %eq3A_1605 = arith.constant 0.000000e+00 : f32
    %eq3A_1606 = vector.broadcast %eq3A_1605 : f32 to vector<16xf32>
    %eq3A_1607 = arith.cmpf oeq, %get3A_1563, %eq3A_1606 : vector<16xf32>
    %jit3A_1608 = arith.constant 0.000000e+00 : f32
    %broadcast_in_dim3A_1609 = vector.broadcast %jit3A_1608 : f32 to vector<16xf32>
    %select_n3A_1610 = arith.select %eq3A_1607, %broadcast_in_dim3A_1609, %sub3A_1604 : vector<16xi1>, vector<16xf32>
    %add3A_1611 = arith.addf %add3A_1560, %select_n3A_1610 : vector<16xf32>
    %get3A_1612 = arith.constant 480 : index
    %get3A_1613 = tpu.vector_load %arg7[%get3A_1612] {strides = array<i32>} : memref<512xf32, #tpu.memory_space<vmem>>, vector<16xf32>,
    %get3A_1614 = vector.shape_cast %get3A_1613 : vector<16xf32> to vector<16xf32>
    %get3A_1615 = arith.constant 480 : index
    %get3A_1616 = tpu.vector_load %arg8[%get3A_1615] {strides = array<i32>} : memref<512xf32, #tpu.memory_space<vmem>>, vector<16xf32>,
    %get3A_1617 = vector.shape_cast %get3A_1616 : vector<16xf32> to vector<16xf32>
    %mul3A_1618 = arith.mulf %get3A_1617, %get3A_1614 : vector<16xf32>
    %abs3A_1619 = math.absf %mul3A_1618 : vector<16xf32>
    %neg3A_1620 = arith.constant 0.000000e+00 : f32
    %neg3A_1621 = vector.broadcast %neg3A_1620 : f32 to vector<16xf32>
    %neg3A_1622 = arith.subf %neg3A_1621, %abs3A_1619 : vector<16xf32>
    %exp3A_1623 = math.exp %neg3A_1622 : vector<16xf32>
    %add3A_1624 = arith.constant 2.000000e+00 : f32
    %add3A_1625 = vector.broadcast %add3A_1624 : f32 to vector<16xf32>
    %add3A_1626 = arith.addf %add3A_1625, %exp3A_1623 : vector<16xf32>
    %div3A_1627 = arith.divf %exp3A_1623, %add3A_1626 : vector<16xf32>
    %mul3A_1628 = arith.mulf %div3A_1627, %div3A_1627 : vector<16xf32>
    %mul3A_1629 = arith.constant 0.181818187 : f32
    %mul3A_1630 = vector.broadcast %mul3A_1629 : f32 to vector<16xf32>
    %mul3A_1631 = arith.mulf %mul3A_1628, %mul3A_1630 : vector<16xf32>
    %add3A_1632 = arith.constant 0.222222224 : f32
    %add3A_1633 = vector.broadcast %add3A_1632 : f32 to vector<16xf32>
    %add3A_1634 = arith.addf %add3A_1633, %mul3A_1631 : vector<16xf32>
    %mul3A_1635 = arith.mulf %mul3A_1628, %add3A_1634 : vector<16xf32>
    %add3A_1636 = arith.constant 0.285714298 : f32
    %add3A_1637 = vector.broadcast %add3A_1636 : f32 to vector<16xf32>
    %add3A_1638 = arith.addf %add3A_1637, %mul3A_1635 : vector<16xf32>
    %mul3A_1639 = arith.mulf %mul3A_1628, %add3A_1638 : vector<16xf32>
    %add3A_1640 = arith.constant 4.000000e-01 : f32
    %add3A_1641 = vector.broadcast %add3A_1640 : f32 to vector<16xf32>
    %add3A_1642 = arith.addf %add3A_1641, %mul3A_1639 : vector<16xf32>
    %mul3A_1643 = arith.mulf %mul3A_1628, %add3A_1642 : vector<16xf32>
    %add3A_1644 = arith.constant 0.666666686 : f32
    %add3A_1645 = vector.broadcast %add3A_1644 : f32 to vector<16xf32>
    %add3A_1646 = arith.addf %add3A_1645, %mul3A_1643 : vector<16xf32>
    %mul3A_1647 = arith.mulf %mul3A_1628, %add3A_1646 : vector<16xf32>
    %add3A_1648 = arith.constant 2.000000e+00 : f32
    %add3A_1649 = vector.broadcast %add3A_1648 : f32 to vector<16xf32>
    %add3A_1650 = arith.addf %add3A_1649, %mul3A_1647 : vector<16xf32>
    %mul3A_1651 = arith.mulf %div3A_1627, %add3A_1650 : vector<16xf32>
    %min3A_1652 = arith.constant 0.000000e+00 : f32
    %min3A_1653 = vector.broadcast %min3A_1652 : f32 to vector<16xf32>
    %min3A_1654 = arith.minimumf %mul3A_1618, %min3A_1653 : vector<16xf32>
    %sub3A_1655 = arith.subf %min3A_1654, %mul3A_1651 : vector<16xf32>
    %eq3A_1656 = arith.constant 0.000000e+00 : f32
    %eq3A_1657 = vector.broadcast %eq3A_1656 : f32 to vector<16xf32>
    %eq3A_1658 = arith.cmpf oeq, %get3A_1614, %eq3A_1657 : vector<16xf32>
    %jit3A_1659 = arith.constant 0.000000e+00 : f32
    %broadcast_in_dim3A_1660 = vector.broadcast %jit3A_1659 : f32 to vector<16xf32>
    %select_n3A_1661 = arith.select %eq3A_1658, %broadcast_in_dim3A_1660, %sub3A_1655 : vector<16xi1>, vector<16xf32>
    %add3A_1662 = arith.addf %add3A_1611, %select_n3A_1661 : vector<16xf32>
    %get3A_1663 = arith.constant 496 : index
    %get3A_1664 = tpu.vector_load %arg7[%get3A_1663] {strides = array<i32>} : memref<512xf32, #tpu.memory_space<vmem>>, vector<16xf32>,
    %get3A_1665 = vector.shape_cast %get3A_1664 : vector<16xf32> to vector<16xf32>
    %get3A_1666 = arith.constant 496 : index
    %get3A_1667 = tpu.vector_load %arg8[%get3A_1666] {strides = array<i32>} : memref<512xf32, #tpu.memory_space<vmem>>, vector<16xf32>,
    %get3A_1668 = vector.shape_cast %get3A_1667 : vector<16xf32> to vector<16xf32>
    %mul3A_1669 = arith.mulf %get3A_1668, %get3A_1665 : vector<16xf32>
    %abs3A_1670 = math.absf %mul3A_1669 : vector<16xf32>
    %neg3A_1671 = arith.constant 0.000000e+00 : f32
    %neg3A_1672 = vector.broadcast %neg3A_1671 : f32 to vector<16xf32>
    %neg3A_1673 = arith.subf %neg3A_1672, %abs3A_1670 : vector<16xf32>
    %exp3A_1674 = math.exp %neg3A_1673 : vector<16xf32>
    %add3A_1675 = arith.constant 2.000000e+00 : f32
    %add3A_1676 = vector.broadcast %add3A_1675 : f32 to vector<16xf32>
    %add3A_1677 = arith.addf %add3A_1676, %exp3A_1674 : vector<16xf32>
    %div3A_1678 = arith.divf %exp3A_1674, %add3A_1677 : vector<16xf32>
    %mul3A_1679 = arith.mulf %div3A_1678, %div3A_1678 : vector<16xf32>
    %mul3A_1680 = arith.constant 0.181818187 : f32
    %mul3A_1681 = vector.broadcast %mul3A_1680 : f32 to vector<16xf32>
    %mul3A_1682 = arith.mulf %mul3A_1679, %mul3A_1681 : vector<16xf32>
    %add3A_1683 = arith.constant 0.222222224 : f32
    %add3A_1684 = vector.broadcast %add3A_1683 : f32 to vector<16xf32>
    %add3A_1685 = arith.addf %add3A_1684, %mul3A_1682 : vector<16xf32>
    %mul3A_1686 = arith.mulf %mul3A_1679, %add3A_1685 : vector<16xf32>
    %add3A_1687 = arith.constant 0.285714298 : f32
    %add3A_1688 = vector.broadcast %add3A_1687 : f32 to vector<16xf32>
    %add3A_1689 = arith.addf %add3A_1688, %mul3A_1686 : vector<16xf32>
    %mul3A_1690 = arith.mulf %mul3A_1679, %add3A_1689 : vector<16xf32>
    %add3A_1691 = arith.constant 4.000000e-01 : f32
    %add3A_1692 = vector.broadcast %add3A_1691 : f32 to vector<16xf32>
    %add3A_1693 = arith.addf %add3A_1692, %mul3A_1690 : vector<16xf32>
    %mul3A_1694 = arith.mulf %mul3A_1679, %add3A_1693 : vector<16xf32>
    %add3A_1695 = arith.constant 0.666666686 : f32
    %add3A_1696 = vector.broadcast %add3A_1695 : f32 to vector<16xf32>
    %add3A_1697 = arith.addf %add3A_1696, %mul3A_1694 : vector<16xf32>
    %mul3A_1698 = arith.mulf %mul3A_1679, %add3A_1697 : vector<16xf32>
    %add3A_1699 = arith.constant 2.000000e+00 : f32
    %add3A_1700 = vector.broadcast %add3A_1699 : f32 to vector<16xf32>
    %add3A_1701 = arith.addf %add3A_1700, %mul3A_1698 : vector<16xf32>
    %mul3A_1702 = arith.mulf %div3A_1678, %add3A_1701 : vector<16xf32>
    %min3A_1703 = arith.constant 0.000000e+00 : f32
    %min3A_1704 = vector.broadcast %min3A_1703 : f32 to vector<16xf32>
    %min3A_1705 = arith.minimumf %mul3A_1669, %min3A_1704 : vector<16xf32>
    %sub3A_1706 = arith.subf %min3A_1705, %mul3A_1702 : vector<16xf32>
    %eq3A_1707 = arith.constant 0.000000e+00 : f32
    %eq3A_1708 = vector.broadcast %eq3A_1707 : f32 to vector<16xf32>
    %eq3A_1709 = arith.cmpf oeq, %get3A_1665, %eq3A_1708 : vector<16xf32>
    %jit3A_1710 = arith.constant 0.000000e+00 : f32
    %broadcast_in_dim3A_1711 = vector.broadcast %jit3A_1710 : f32 to vector<16xf32>
    %select_n3A_1712 = arith.select %eq3A_1709, %broadcast_in_dim3A_1711, %sub3A_1706 : vector<16xi1>, vector<16xf32>
    %add3A_1713 = arith.addf %add3A_1662, %select_n3A_1712 : vector<16xf32>
    %swap3A = arith.constant 0 : index
    %swap3A_1714 = tpu.vector_load %arg9[%swap3A] {strides = array<i32>} : memref<16xf32, #tpu.memory_space<vmem>>, vector<16xf32>,
    %swap3A_1715 = vector.shape_cast %swap3A_1714 : vector<16xf32> to vector<16xf32>
    %swap3A_1716 = vector.shape_cast %add3A_1713 : vector<16xf32> to vector<16xf32>
    tpu.vector_store %arg9[%swap3A], %swap3A_1716 {strides = array<i32>} : memref<16xf32, #tpu.memory_space<vmem>>, vector<16xf32>,
    %mul3A_1717 = arith.constant 16 : i32
    %mul3A_1718 = arith.muli %add3A, %mul3A_1717 : i32
    "tpu.region"() ({
      %run_scoped3A = tpu.sem_alloc : memref<!tpu.dma_semaphore, #tpu.memory_space<semaphore_mem>>
      %dma_start3A_1719 = tpu.memref_slice %arg5[%mul3A_1718] : memref<512xf32, #tpu.memory_space<hbm>> -> memref<16xf32, #tpu.memory_space<hbm>>
      %dma_start3A_1720 = tpu.memref_slice %arg5[%mul3A_1718] : memref<512xf32, #tpu.memory_space<hbm>> -> memref<16xf32, #tpu.memory_space<hbm>>
      tpu.enqueue_dma source(%arg9 : memref<16xf32, #tpu.memory_space<vmem>>) target(%dma_start3A_1720 : memref<16xf32, #tpu.memory_space<hbm>>) target_semaphore(%run_scoped3A : memref<!tpu.dma_semaphore, #tpu.memory_space<semaphore_mem>>)
      %dma_wait3A_1721 = tpu.memref_slice %arg5[%mul3A_1718] : memref<512xf32, #tpu.memory_space<hbm>> -> memref<16xf32, #tpu.memory_space<hbm>>
      %dma_wait3A_1722 = tpu.memref_slice %arg5[%mul3A_1718] : memref<512xf32, #tpu.memory_space<hbm>> -> memref<16xf32, #tpu.memory_space<hbm>>
      tpu.wait_dma2 semaphore(%run_scoped3A : memref<!tpu.dma_semaphore, #tpu.memory_space<semaphore_mem>>) src(%arg9 : memref<16xf32, #tpu.memory_space<vmem>>) dst(%dma_wait3A_1722 : memref<16xf32, #tpu.memory_space<hbm>>)
      tpu.yield
    }) : () -> ()
    return
  }
}

module attributes {stable_mosaic.version = 14 : i64} {
  func.func @_mv_body(%arg0: i32, %arg1: memref<2xi32, #tpu.memory_space<smem>>, %arg2: memref<64x128xf32, #tpu.memory_space<vmem>>, %arg3: memref<64x16384xf32, #tpu.memory_space<vmem>>, %arg4: memref<16384xf32, #tpu.memory_space<vmem>>) attributes {dimension_semantics = [#tpu.dimension_semantics<arbitrary>], iteration_bounds = array<i64: 62>, scalar_prefetch = 1 : i64, scratch_operands = 0 : i64, tpu.core_type = #tpu.core_type<tc>, window_params = [{transform_indices = @transform_0, window_bounds = array<i64: 64, 128>}, {transform_indices = @transform_1, window_bounds = array<i64: 64, 16384>}, {transform_indices = @transform_2, window_bounds = array<i64: 16384>}]} {
    %get3A = arith.constant 1 : index
    %get3A_0 = memref.load %arg1[%get3A] : memref<2xi32, #tpu.memory_space<smem>>
    %iota3A = tpu.iota {dimensions = array<i32: 0>} : vector<128x1xi32>
    %eq3A = vector.broadcast %get3A_0 : i32 to vector<128x1xi32>
    %eq3A_1 = arith.cmpi eq, %iota3A, %eq3A : vector<128x1xi32>
    %get3A_2 = arith.constant 0 : index
    %get3A_3 = arith.constant 0 : index
    %get3A_4 = vector.load %arg2[%get3A_2, %get3A_3] : memref<64x128xf32, #tpu.memory_space<vmem>>, vector<64x128xf32>
    %convert_element_type3A = arith.extui %eq3A_1 : vector<128x1xi1> to vector<128x1xi32>
    %convert_element_type3A_5 = arith.sitofp %convert_element_type3A : vector<128x1xi32> to vector<128x1xf32>
    %dot_general3A = arith.constant dense<0.000000e+00> : vector<64x1xf32>
    %dot_general3A_6 = tpu.matmul %get3A_4, %convert_element_type3A_5, %dot_general3A {dimension_numbers = #tpu.dot_dimension_numbers<[1], [0], [0], [1], [0, 0, 1, 1], [], []>, transpose_lhs_hint = false} : vector<64x128xf32>, vector<128x1xf32>, vector<64x1xf32> -> vector<64x1xf32>
    %get3A_7 = arith.constant 0 : index
    %get3A_8 = arith.constant 0 : index
    %get3A_9 = vector.load %arg3[%get3A_7, %get3A_8] : memref<64x16384xf32, #tpu.memory_space<vmem>>, vector<64x16384xf32>
    %dot_general3A_10 = arith.constant dense<0.000000e+00> : vector<1x16384xf32>
    %dot_general3A_11 = tpu.matmul %dot_general3A_6, %get3A_9, %dot_general3A_10 {dimension_numbers = #tpu.dot_dimension_numbers<[0], [0], [1], [1], [0, 1, 1, 1], [], []>, transpose_lhs_hint = false} : vector<64x1xf32>, vector<64x16384xf32>, vector<1x16384xf32> -> vector<1x16384xf32>
    %reshape3A = vector.shape_cast %dot_general3A_11 : vector<1x16384xf32> to vector<16384xf32>
    %swap3A = arith.constant 0 : index
    %swap3A_12 = vector.load %arg4[%swap3A] : memref<16384xf32, #tpu.memory_space<vmem>>, vector<16384xf32>
    tpu.vector_store %arg4[%swap3A], %reshape3A {strides = array<i32>} : memref<16384xf32, #tpu.memory_space<vmem>>, vector<16384xf32>,
    return
  }
  func.func @transform_0(%arg0: i32, %arg1: memref<2xi32, #tpu.memory_space<smem>>) -> (i32, i32) {
    %get3A = arith.constant 0 : index
    %get3A_0 = memref.load %arg1[%get3A] : memref<2xi32, #tpu.memory_space<smem>>
    %c0_i32 = arith.constant 0 : i32
    %c0_i32_1 = arith.constant 0 : i32
    return %c0_i32, %get3A_0 : i32, i32
  }
  func.func @transform_1(%arg0: i32, %arg1: memref<2xi32, #tpu.memory_space<smem>>) -> (i32, i32) {
    %c0_i32 = arith.constant 0 : i32
    %c0_i32_0 = arith.constant 0 : i32
    return %c0_i32, %arg0 : i32, i32
  }
  func.func @transform_2(%arg0: i32, %arg1: memref<2xi32, #tpu.memory_space<smem>>) -> i32 {
    %c0_i32 = arith.constant 0 : i32
    return %arg0 : i32
  }
}

</mosaic_0001>

<sc_bundles>
// kernel: kernel.4.cloned.1.call-start
scs
__scs_entry_jumppad:
0x0: {  	(pc) =	sbr.rel $0x88, $3  }
0x1: {  	(tag) =	ssettag $0x0;
	lr =	simm.s32 $0x1  }
0x2: {  	[smem:$0x3F9C] =	sst lr;
	_ =	strace $0xD0000000  }
0x3: {  	_ = 	snop  }
0x4: {  	_ = 	snop  }
0x5: {  	_ = 	snop  }
0x6: {  	_ = 	snop  }
0x7: {  	_ = 	snop  }
__scs_overlays_trampoline_lowered:
0x8: {  	[smem:$0x3FAB] =	sst s0  }
0x9: {  	[smem:$0x3FAC] =	sst s1  }
0xa: {  	[smem:$0x3FAD] =	sst s2  }
0xb: {  	[smem:$0x3FAE] =	sst s3  }
0xc: {  	[smem:$0x3FAF] =	sst s4  }
0xd: {  	[smem:$0x3FB0] =	sst s5  }
0xe: {  	[smem:$0x3FB1] =	sst s6  }
0xf: {  	[smem:$0x3FB2] =	sst s7  }
0x10: {  	[smem:$0x3FB3] =	sst s8  }
0x11: {  	[smem:$0x3FB4] =	sst s9;
	s0 =	simm.s32 @!p0 $0x0  }
0x12: {  	s1 =	sld [smem:$0x3F9A];
	s0 =	simm.s32 @p0 $0x1  }
0x13: {  	[smem:$0x3FB5] =	sst s0;
	s0 =	simm.s32 @!p1 $0x0  }
0x14: {  	s2 =	sld [smem:$0x3F99];
	s0 =	simm.s32 @p1 $0x1  }
0x15: {  	[smem:$0x3FB6] =	sst s0;
	s0 =	simm.s32 @!p2 $0x0  }
0x16: {  	s3 =	sld [smem:$0x3FDB];
	s0 =	simm.s32 @p2 $0x1  }
0x17: {  	s4 =	simm.s32 $0x1BF5;
	[smem:$0x3FB8] =	sst s0  }
0x18: {  	s0 =	sld [smem:$0x3F9B];
	_ =	swait.ge [sflag:s4], $0x0  }
0x19: {  	s7 =	sld [smem:$0x3F9C]  }
0x1a: {  	s8 =	sadd.s32 $0xFFFFE003, lr  }
0x1b: {  	s9 =	sadd.s32 $0xFFFFFEF7, lr;
	s5 =	simm.s32 $0xFFFFFFFF;
	p2 =	slt.u32 s8, $0xFFFFF086  }
0x1c: {  	p1 =	slt.u32 s9, $0xF7A;
	s5 =	simm.s32 @!p2 $0x0  }
0x1d: {  	s5 =	simm.s32 @p1 $0x1;
	p0 =	seq.s32 s7, s2  }
0x1e: {  	s7 =	smul.u32 @!p0 $0xF7A, s2;
	p2 =	seq.s32 @!p0 s5, $0x0  }
0x1f: {  	s9 =	smul.u32 $0xF7A, s1;
	s8 =	simm.s32 @!p0 $0x1BF5;
	p2 =	por !p2, p0  }
0x20: {  	[sflag:s8] =	ssyncset.s32 @!p0 $0xFFFFF086;
	s6 =	sadd.s32 @!p0 s3, s7;
	s7 =	simm.s32 @!p0 $0x108  }
0x21: {  	s3 =	sadd.s32 s3, s9;
	s6 =	sadd.s32 @!p0 $0x88, s6;
	s7 =	simm.s32 @p2 $0x1082  }
0x22: {  	[simem:s7], [sflag:s8] =	dma.local @!p0 [hbm:s6], $0xF7A  }
0x23: {  	s9 =	sor.u32 $0xD0000000, s2;
	s6 =	simm.s32 $0x108;
	_ =	swait.ge @!p0 [sflag:s8], $0x0  }
0x24: {  	s3 =	sadd.s32 $0x88, s3;
	s6 =	simm.s32 @!p1 $0x1082;
	[sflag:s4] =	ssyncset.s32 $0xFFFFF086  }
0x25: {  	[simem:s6], [sflag:s4] =	dma.local [hbm:s3], $0xF7A  }
0x26: {  	[smem:$0x3F9C] =	sst s1;
	(tag) =	ssettag s2;
	_ =	strace s9  }
0x27: {  	s1 =	sld [smem:$0x3FAC]  }
0x28: {  	s2 =	sld [smem:$0x3FAD]  }
0x29: {  	s4 =	sld [smem:$0x3FAF]  }
0x2a: {  	p0 =	seq.s32 s5, $0x0;
	s5 =	sld [smem:$0x3FB0]  }
0x2b: {  	s6 =	sld [smem:$0x3FB1]  }
0x2c: {  	s7 =	sld [smem:$0x3FB2]  }
0x2d: {  	s3 =	simm.s32 $0x108;
	s8 =	sld [smem:$0x3FB3]  }
0x2e: {  	s3 =	simm.s32 @!p0 $0x1082;
	s9 =	sld [smem:$0x3FB4]  }
0x2f: {  	lr =	sadd.s32 s0, s3;
	s0 =	sld [smem:$0x3FAB]  }
0x30: {  	s3 =	sld [smem:$0x3FAE]  }
0x31: {  	[smem:$0x3FB7] =	sst s10  }
0x32: {  	s10 =	sld [smem:$0x3FB5];
	_ =	sdelay $0x3  }
0x33: {  	p0 =	seq.s32 s10, $0x1;
	s10 =	sld [smem:$0x3FB7];
	_ =	sdelay $0x3  }
0x34: {  	[smem:$0x3FB7] =	sst s10  }
0x35: {  	s10 =	sld [smem:$0x3FB6];
	_ =	sdelay $0x3  }
0x36: {  	p1 =	seq.s32 s10, $0x1;
	s10 =	sld [smem:$0x3FB7];
	_ =	sdelay $0x3  }
0x37: {  	[smem:$0x3FB7] =	sst s10  }
0x38: {  	s10 =	sld [smem:$0x3FB8]  }
0x39: {  	_ = 	snop;
	(pc) =	sbr.ind lr, $3  }
0x3a: {  	_ = 	snop  }
0x3b: {  	_ = 	snop  }
0x3c: {  	p2 =	seq.s32 s10, $0x1;
	s10 =	sld [smem:$0x3FB7]  }
0x3d: {  	_ =	shalt  }
0x3e: {  	_ =	shalt  }
0x3f: {  	_ =	shalt  }
0x40: {  	_ =	shalt  }
0x41: {  	_ =	shalt  }
0x42: {  	_ =	shalt  }
0x43: {  	_ =	shalt  }
0x44: {  	_ =	shalt  }
0x45: {  	_ =	shalt  }
0x46: {  	_ =	shalt  }
0x47: {  	_ =	shalt  }
0x48: {  	_ =	shalt  }
0x49: {  	_ =	shalt  }
0x4a: {  	_ =	shalt  }
0x4b: {  	_ =	shalt  }
0x4c: {  	_ =	shalt  }
0x4d: {  	_ =	shalt  }
0x4e: {  	_ =	shalt  }
0x4f: {  	_ =	shalt  }
0x50: {  	_ =	shalt  }
0x51: {  	_ =	shalt  }
0x52: {  	_ =	shalt  }
0x53: {  	_ =	shalt  }
0x54: {  	_ =	shalt  }
0x55: {  	_ =	shalt  }
0x56: {  	_ =	shalt  }
0x57: {  	_ =	shalt  }
0x58: {  	_ =	shalt  }
0x59: {  	_ =	shalt  }
0x5a: {  	_ =	shalt  }
0x5b: {  	_ =	shalt  }
0x5c: {  	_ =	shalt  }
0x5d: {  	_ =	shalt  }
0x5e: {  	_ =	shalt  }
0x5f: {  	_ =	shalt  }
0x60: {  	_ =	shalt  }
0x61: {  	_ =	shalt  }
0x62: {  	_ =	shalt  }
0x63: {  	_ =	shalt  }
0x64: {  	_ =	shalt  }
0x65: {  	_ =	shalt  }
0x66: {  	_ =	shalt  }
0x67: {  	_ =	shalt  }
0x68: {  	_ =	shalt  }
0x69: {  	_ =	shalt  }
0x6a: {  	_ =	shalt  }
0x6b: {  	_ =	shalt  }
0x6c: {  	_ =	shalt  }
0x6d: {  	_ =	shalt  }
0x6e: {  	_ =	shalt  }
0x6f: {  	_ =	shalt  }
0x70: {  	_ =	shalt  }
0x71: {  	_ =	shalt  }
0x72: {  	_ =	shalt  }
0x73: {  	_ =	shalt  }
0x74: {  	_ =	shalt  }
0x75: {  	_ =	shalt  }
0x76: {  	_ =	shalt  }
0x77: {  	_ =	shalt  }
0x78: {  	_ =	shalt  }
0x79: {  	_ =	shalt  }
0x7a: {  	_ =	shalt  }
0x7b: {  	_ =	shalt  }
0x7c: {  	_ =	shalt  }
0x7d: {  	_ =	shalt  }
0x7e: {  	_ =	shalt  }
0x7f: {  	_ =	shalt  }
0x80: {  	_ =	shalt  }
0x81: {  	_ =	shalt  }
0x82: {  	_ =	shalt  }
0x83: {  	_ =	shalt  }
0x84: {  	_ =	shalt  }
0x85: {  	_ =	shalt  }
0x86: {  	_ =	shalt  }
0x87: {  	_ =	shalt  }
.Lfunc_end0:
.L_simem_size_0:
called_computation_lowered:
.L_overlay_start_0:
0x88: {  	s2 =	sld [smem:$0x3FD9]  }
0x89: {  	s3 =	sld [smem:$0x3FFE];
	_ =	sdelay $0x1  }
0x8a: {  	s1 =	srdreg.scid  }
0x8b: {  	s0 =	sand.u32 $0x1, s1  }
0x8c: {  	s16 =	sshll.u32 s0, $0xA;
	s2 =	sadd.s32 s3, s2  }
0x8d: {  	s2 =	sadd.s32 s2, s16  }
0x8e: {  	[smem:$0x3FC3] =	sst s2  }
0x8f: {  	_ = 	snop  }
0x90: {  	(tm) =	ssettm $0x1  }
0x91: {  	s17 =	sld [smem:$0x3FFB];
	_ =	sdelay $0x3  }
0x92: {  	_ =	strace s17  }
0x93: {  	s2 =	sld [smem:$0x3FFC];
	_ =	sdelay $0x3  }
0x94: {  	_ =	strace s2  }
0x95: {  	s2 =	sld [smem:$0x3FFD];
	_ =	sdelay $0x3  }
0x96: {  	_ =	strace s2  }
0x97: {  	_ =	strace $0x8FFFFFFF  }
0x98: {  	s18 =	sld [smem:$0x3FDB];
	_ =	sdelay $0x1  }
0x99: {  	s19 =	simm.s32 $_scs_section_size  }
0x9a: {  	s4 =	simm.s32 $_size__tile_overlayer_lowered;
	s5 =	simm.s32 $_tile_overlayer_lowered  }
0x9b: {  	s22 =	simm.s32 $0x1BFF;
	s21 =	sshll.u32 s5, $0x1;
	s2 =	sadd.s32 s19, s18  }
0x9c: {  	s6 =	simm.s32 $0x0;
	s20 =	sshll.u32 s4, $0x1;
	s4 =	sadd.s32 s21, s2  }
0x9d: {  	[timem:s6], [sflag:s22] =	dma.local [hbm:s4], s20  }
0x9e: {  	_ =	swait.ge [sflag:s22], s20  }
0x9f: {  	s3 =	ssub.s32 $0x0, s20;
	[sflag:s22] =	ssyncset.done $0x0  }
0xa0: {  	[sflag:s22] =	ssyncadd.s32 s3;
	_ =	sdelay $0x1  }
0xa1: {  	s23 =	simm.s32 $0x1B8B  }
0xa2: {  	_ =	swait.ge [sflag:s23], $0x1  }
0xa3: {  	[sflag:s23] =	ssyncset.done $0x0  }
0xa4: {  	s25 =	simm.s32 $0x1B8E;
	s24 =	sld [smem:$0x3FFE];
	[sflag:s23] =	ssyncadd.s32 $0xFFFFFFFF  }
0xa5: {  	s26 =	simm.s32 $execute0_lowered;
	[smem:$0x3FD2] =	sst s25  }
0xa6: {  	s4 =	sshll.u32 s26, $0x1;
	_ =	strace $0x80000046;
	[dreg:$0x1] =	wrdreg $0xFFFFFFFF  }
0xa7: {  	s28 =	simm.s32 $_size_execute0_lowered;
	s2 =	sadd.s32 s2, s4;
	[dreg:$0x0] =	wrdreg $0x0  }
0xa8: {  	s4 =	sshll.u32 s28, $0x1;
	[dreg:$0x2] =	wrdreg s2  }
0xa9: {  	[dreg:$0x3] =	wrdreg s4  }
0xaa: {  	[dreg:$0x4] =	wrdreg $0xC0  }
0xab: {  	_ =	task [dreg:s6], $0x5FFFF  }
0xac: {  	[dreg:$0x1] =	wrdreg $0xFFFFFFFF  }
0xad: {  	[dreg:$0x0] =	wrdreg $0x60  }
0xae: {  	[dreg:$0x2] =	wrdreg s24  }
0xaf: {  	[dreg:$0x3] =	wrdreg $0x9  }
0xb0: {  	_ =	task.clear_ibuf [dreg:s6], $0x4FFFF;
	_ =	strace $0x90000046  }
0xb1: {  	s29 =	simm.s32 $0x9;
	_ =	strace $0x80000048  }
0xb2: {  	_ =	swait.ge [sflag:s29], $0x1  }
0xb3: {  	[sflag:s29] =	ssyncadd.s32 $0xFFFFFFFF  }
0xb4: {  	_ =	strace $0x90000048  }
0xb5: {  	_ =	sfence  }
0xb6: {  	s30 =	sld [smem:$0x0];
	_ =	sdelay $0x2  }
0xb7: {  	s31 =	sshll.u32 s1, $0xD;
	s1 =	sshrl.u32 s1, $0x2  }
0xb8: {  	s3 =	sand.u32 $0x4000, s31;
	s1 =	sadd.s32 s1, s30  }
0xb9: {  	s0 =	sor.u32 s3, s0;
	s1 =	sshll.u32 s1, $0x11  }
0xba: {  	s0 =	sor.u32 s1, s0  }
0xbb: {  	s0 =	sadd.s32 $0x8F2B, s0  }
0xbc: {  	[sflag:s0] =	ssyncadd.remote.s32 $0x1  }
0xbd: {  	_ =	sfence.sel $0xFFFF  }
0xbe: {  	[dreg:$0x0] =	wrdreg $0xFFFFFFFF;
	(pc) =	sbr.abs _section_cstart, $3  }
0xbf: {  	[dreg:$0x1] =	wrdreg $0xFFFFFFFF  }
0xc0: {  	_ =	task.clear_ibuf [dreg:s6], $0x2FFFF;
	_ =	strace $0x9FFFFFFF  }
0xc1: {  	(tm) =	ssettm $0x7FFFFFFF  }
tec
execute0_lowered:
.L_overlay_start_1:
0x0: {  	(tag) =	ssettag $0x1  }
0x1: {  	s4 =	rddreg [dreg:$0x0]  }
0x2: {  	s0 =	rddreg [dreg:$0x1];
	s2 =	simm.s32 $0x0  }
0x3: {  	s3 =	srdreg.scid;
	s1 =	stileid.u32;
	s9 =	simm.s32 $0x1  }
0x4: {  	s10 =	simm.s32 $0x80;
	s11 =	simm.s32 $0x400;
	s12 =	simm.s32 $0x480  }
0x5: {  	s13 =	simm.s32 $0x100;
	s14 =	simm.s32 $0x500;
	s15 =	simm.s32 $0x180  }
0x6: {  	s16 =	simm.s32 $0x580;
	s17 =	simm.s32 $0x600;
	s18 =	simm.s32 $0x2  }
0x7: {  	[smem:$0x7FF] =	sst s2;
	s5 =	sand.u32 $0x1, s3;
	s6 =	sshll.u32 s1, $0x1  }
0x8: {  	s3 =	sadd.s32 $0x1200, s4;
	_ =	strace $0x80000047;
	s6 =	sor.u32 s5, s6  }
0x9: {  	s5 =	ssub.s32 $0x2, s5;
	s7 =	sshll.u32 s6, $0x6;
	s6 =	sshll.u32 s6, $0x1  }
0xa: {  	s8 =	sshrl.u32 s5, $0x1;
	s7 =	sadd.s32 s7, s4;
	s6 =	sadd.s32 s6, s4  }
0xb: {  	s8 =	ssub.s32 s5, s8;
	s4 =	sadd.s32 $0xA00, s7;
	s5 =	sadd.s32 $0x200, s7  }
0xc: {  	s6 =	sadd.s32 $0x20200, s6;
	s7 =	smax.u32 s8, $0x1;
	s8 =	simm.s32 $0x200  }
.LBB2_1:
0xd: {  	[tilespmem:s2], [sflag:$0x1] =	stream.linear.gather [hbm4b:s4+s2], $0x200, $0x38;
	[tilespmem:$0x610] =	vst v63  }
0xe: {  	_ = 	snop  }
0xf: {  	[tilespmem:s8], [sflag:$0x1] =	stream.linear.gather [hbm4b:s5+s2], $0x200, $0x38;
	[tilespmem:$0x610] =	vst v63  }
0x10: {  	_ =	swait.ge [sflag:s9], $0x200  }
0x11: {  	[sflag:s9] =	ssyncset.done $0x0  }
0x12: {  	[sflag:s9] =	ssyncadd.s32 $0xFFFFFE00  }
0x13: {  	[tilespmem:s11], [sflag:$0x1] =	stream.indirect.gather [hbm4b:s3+s10], $0x1, s2, s10, $0xb8;
	[tilespmem:$0x610] =	vst v63  }
0x14: {  	_ = 	snop  }
0x15: {  	[tilespmem:s12], [sflag:$0x1] =	stream.indirect.gather [hbm4b:s3+s10], $0x1, s10, s10, $0xb8;
	[tilespmem:$0x610] =	vst v63  }
0x16: {  	_ = 	snop  }
0x17: {  	[tilespmem:s14], [sflag:$0x1] =	stream.indirect.gather [hbm4b:s3+s10], $0x1, s13, s10, $0xb8;
	[tilespmem:$0x610] =	vst v63  }
0x18: {  	_ = 	snop  }
0x19: {  	[tilespmem:s16], [sflag:$0x1] =	stream.indirect.gather [hbm4b:s3+s10], $0x1, s15, s10, $0xb8;
	[tilespmem:$0x610] =	vst v63  }
0x1a: {  	_ =	swait.ge [sflag:s9], $0x200  }
0x1b: {  	[sflag:s9] =	ssyncset.done $0x0  }
0x1c: {  	[sflag:s9] =	ssyncadd.s32 $0xFFFFFE00  }
0x1d: {  	_ =	swait.ge [sflag:s9], $0x80  }
0x1e: {  	[sflag:s9] =	ssyncset.done $0x0  }
0x1f: {  	[sflag:s9] =	ssyncadd.s32 $0xFFFFFF80  }
0x20: {  	_ =	swait.ge [sflag:s9], $0x80  }
0x21: {  	[sflag:s9] =	ssyncset.done $0x0  }
0x22: {  	[sflag:s9] =	ssyncadd.s32 $0xFFFFFF80  }
0x23: {  	_ =	swait.ge [sflag:s9], $0x80  }
0x24: {  	[sflag:s9] =	ssyncset.done $0x0  }
0x25: {  	[sflag:s9] =	ssyncadd.s32 $0xFFFFFF80  }
0x26: {  	_ =	swait.ge [sflag:s9], $0x80  }
0x27: {  	[sflag:s9] =	ssyncset.done $0x0  }
0x28: {  	[sflag:s9] =	ssyncadd.s32 $0xFFFFFF80  }
0x29: {  	v36 =	vld [tilespmem:$0x200]  }
0x2a: {  	v0 =	vld [tilespmem:$0x400];
	_ =	sdelay $0x4  }
0x2b: {  	v18 =	vmul.f32 v0, v36;
	_ =	sdelay $0x1  }
0x2c: {  	v0 =	vand.u32 $0x7FFFFFFF, v18  }
0x2d: {  	v0 =	vsub.f32 $0.0e+00, v0;
	_ =	sdelay $0x1  }
0x2e: {  	v0 =	vmul.f32 $1.442695020e+00, v0;
	_ =	sdelay $0x1  }
0x2f: {  	v19 =	vld [tilespmem:$0x210];
	(erf) = vpow2.f32 v0  }
0x30: {  	v60 =	vld [tilespmem:$0x410];
	_ =	sdelay $0x4  }
0x31: {  	v52 =	vmul.f32 v60, v19;
	_ =	sdelay $0x1  }
0x32: {  	v0 =	vand.u32 $0x7FFFFFFF, v52  }
0x33: {  	v0 =	vsub.f32 $0.0e+00, v0;
	v33 =	vpop (erf)  }
0x34: {  	v1 =	vadd.f32 $2.000000000e+00, v33  }
0x35: {  	v0 =	vmul.f32 $1.442695020e+00, v0  }
0x36: {  	(erf) = vrcp.f32 v1  }
0x37: {  	v20 =	vld [tilespmem:$0x220];
	(erf) = vpow2.f32 v0  }
0x38: {  	v61 =	vld [tilespmem:$0x420];
	_ =	sdelay $0x4  }
0x39: {  	v50 =	vmul.f32 v61, v20;
	_ =	sdelay $0x1  }
0x3a: {  	v0 =	vand.u32 $0x7FFFFFFF, v50;
	v44 =	vpop (erf)  }
0x3b: {  	v0 =	vsub.f32 $0.0e+00, v0;
	v34 =	vpop (erf)  }
0x3c: {  	v62 =	vadd.f32 $2.000000000e+00, v34  }
0x3d: {  	v0 =	vmul.f32 $1.442695020e+00, v0  }
0x3e: {  	(erf) = vrcp.f32 v62  }
0x3f: {  	v26 =	vld [tilespmem:$0x230];
	(erf) = vpow2.f32 v0  }
0x40: {  	v63 =	vld [tilespmem:$0x430];
	_ =	sdelay $0x4  }
0x41: {  	v23 =	vmul.f32 v63, v26;
	_ =	sdelay $0x1  }
0x42: {  	v4 =	vand.u32 $0x7FFFFFFF, v23;
	v10 =	vpop (erf)  }
0x43: {  	v1 =	vsub.f32 $0.0e+00, v4;
	v11 =	vpop (erf)  }
0x44: {  	v2 =	vadd.f32 $2.000000000e+00, v11  }
0x45: {  	v1 =	vmul.f32 $1.442695020e+00, v1  }
0x46: {  	(erf) = vrcp.f32 v2  }
0x47: {  	v46 =	vld [tilespmem:$0x240];
	(erf) = vpow2.f32 v1  }
0x48: {  	v5 =	vld [tilespmem:$0x440];
	_ =	sdelay $0x4  }
0x49: {  	v51 =	vmul.f32 v5, v46;
	_ =	sdelay $0x1  }
0x4a: {  	v1 =	vand.u32 $0x7FFFFFFF, v51;
	v2 =	vpop (erf)  }
0x4b: {  	v1 =	vsub.f32 $0.0e+00, v1;
	v12 =	vpop (erf)  }
0x4c: {  	v3 =	vadd.f32 $2.000000000e+00, v12  }
0x4d: {  	v1 =	vmul.f32 $1.442695020e+00, v1  }
0x4e: {  	(erf) = vrcp.f32 v3  }
0x4f: {  	v28 =	vld [tilespmem:$0x250];
	(erf) = vpow2.f32 v1  }
0x50: {  	v6 =	vld [tilespmem:$0x450];
	_ =	sdelay $0x4  }
0x51: {  	v47 =	vmul.f32 v6, v28;
	_ =	sdelay $0x1  }
0x52: {  	v1 =	vand.u32 $0x7FFFFFFF, v47;
	v22 =	vpop (erf)  }
0x53: {  	v1 =	vsub.f32 $0.0e+00, v1;
	v15 =	vpop (erf)  }
0x54: {  	v7 =	vadd.f32 $2.000000000e+00, v15  }
0x55: {  	v1 =	vmul.f32 $1.442695020e+00, v1  }
0x56: {  	(erf) = vrcp.f32 v7  }
0x57: {  	v42 =	vld [tilespmem:$0x260];
	(erf) = vpow2.f32 v1  }
0x58: {  	v8 =	vld [tilespmem:$0x460];
	_ =	sdelay $0x4  }
0x59: {  	v48 =	vmul.f32 v8, v42;
	_ =	sdelay $0x1  }
0x5a: {  	v1 =	vand.u32 $0x7FFFFFFF, v48;
	v25 =	vpop (erf)  }
0x5b: {  	v1 =	vsub.f32 $0.0e+00, v1;
	v13 =	vpop (erf)  }
0x5c: {  	v8 =	vadd.f32 $2.000000000e+00, v13  }
0x5d: {  	v1 =	vmul.f32 $1.442695020e+00, v1  }
0x5e: {  	(erf) = vrcp.f32 v8  }
0x5f: {  	v29 =	vld [tilespmem:$0x270];
	(erf) = vpow2.f32 v1  }
0x60: {  	v9 =	vld [tilespmem:$0x470];
	_ =	sdelay $0x4  }
0x61: {  	v27 =	vmul.f32 v9, v29;
	_ =	sdelay $0x1  }
0x62: {  	v14 =	vand.u32 $0x7FFFFFFF, v27;
	v24 =	vpop (erf)  }
0x63: {  	v8 =	vsub.f32 $0.0e+00, v14;
	v9 =	vpop (erf)  }
0x64: {  	v14 =	vadd.f32 $2.000000000e+00, v9  }
0x65: {  	v8 =	vmul.f32 $1.442695020e+00, v8  }
0x66: {  	(erf) = vrcp.f32 v14  }
0x67: {  	v32 =	vld [tilespmem:$0x280];
	(erf) = vpow2.f32 v8  }
0x68: {  	v16 =	vld [tilespmem:$0x480];
	_ =	sdelay $0x4  }
0x69: {  	v31 =	vmul.f32 v16, v32;
	_ =	sdelay $0x1  }
0x6a: {  	v17 =	vand.u32 $0x7FFFFFFF, v31;
	v21 =	vpop (erf)  }
0x6b: {  	v14 =	vsub.f32 $0.0e+00, v17;
	v63 =	vpop (erf)  }
0x6c: {  	v16 =	vadd.f32 $2.000000000e+00, v63  }
0x6d: {  	v14 =	vmul.f32 $1.442695020e+00, v14  }
0x6e: {  	(erf) = vrcp.f32 v16  }
0x6f: {  	v45 =	vld [tilespmem:$0x290];
	(erf) = vpow2.f32 v14  }
0x70: {  	v30 =	vld [tilespmem:$0x490];
	_ =	sdelay $0x4  }
0x71: {  	v30 =	vmul.f32 v30, v45;
	_ =	sdelay $0x1  }
0x72: {  	v35 =	vand.u32 $0x7FFFFFFF, v30;
	v14 =	vpop (erf)  }
0x73: {  	v16 =	vsub.f32 $0.0e+00, v35;
	v59 =	vpop (erf)  }
0x74: {  	v17 =	vadd.f32 $2.000000000e+00, v59  }
0x75: {  	v16 =	vmul.f32 $1.442695020e+00, v16  }
0x76: {  	(erf) = vrcp.f32 v17  }
0x77: {  	v49 =	vld [tilespmem:$0x2A0];
	(erf) = vpow2.f32 v16  }
0x78: {  	v37 =	vld [tilespmem:$0x4A0];
	_ =	sdelay $0x4  }
0x79: {  	v39 =	vmul.f32 v37, v49;
	_ =	sdelay $0x1  }
0x7a: {  	v16 =	vand.u32 $0x7FFFFFFF, v39;
	v61 =	vpop (erf)  }
0x7b: {  	v16 =	vsub.f32 $0.0e+00, v16;
	v60 =	vpop (erf)  }
0x7c: {  	v38 =	vadd.f32 $2.000000000e+00, v60  }
0x7d: {  	v16 =	vmul.f32 $1.442695020e+00, v16  }
0x7e: {  	(erf) = vrcp.f32 v38  }
0x7f: {  	v58 =	vld [tilespmem:$0x2B0];
	(erf) = vpow2.f32 v16  }
0x80: {  	v40 =	vld [tilespmem:$0x4B0];
	_ =	sdelay $0x4  }
0x81: {  	v55 =	vmul.f32 v40, v58;
	_ =	sdelay $0x1  }
0x82: {  	v16 =	vand.u32 $0x7FFFFFFF, v55;
	v62 =	vpop (erf)  }
0x83: {  	v16 =	vsub.f32 $0.0e+00, v16;
	v56 =	vpop (erf)  }
0x84: {  	v41 =	vadd.f32 $2.000000000e+00, v56  }
0x85: {  	v16 =	vmul.f32 $1.442695020e+00, v16  }
0x86: {  	(erf) = vrcp.f32 v41  }
0x87: {  	v43 =	vld [tilespmem:$0x2C0];
	(erf) = vpow2.f32 v16  }
0x88: {  	v53 =	vld [tilespmem:$0x4C0];
	_ =	sdelay $0x4  }
0x89: {  	v57 =	vmul.f32 v53, v43;
	_ =	sdelay $0x1  }
0x8a: {  	v16 =	vand.u32 $0x7FFFFFFF, v57;
	v54 =	vpop (erf)  }
0x8b: {  	v16 =	vsub.f32 $0.0e+00, v16;
	[tilespmem:$0x1FEC0] =	vst v54;
	v54 =	vpop (erf)  }
0x8c: {  	v4 =	vadd.f32 $2.000000000e+00, v54  }
0x8d: {  	v16 =	vmul.f32 $1.442695020e+00, v16  }
0x8e: {  	(erf) = vrcp.f32 v4  }
0x8f: {  	v5 =	vld [tilespmem:$0x2D0];
	(erf) = vpow2.f32 v16  }
0x90: {  	v6 =	vld [tilespmem:$0x4D0];
	_ =	sdelay $0x4  }
0x91: {  	v17 =	vmul.f32 v6, v5;
	_ =	sdelay $0x1  }
0x92: {  	v16 =	vand.u32 $0x7FFFFFFF, v17;
	v7 =	vpop (erf)  }
0x93: {  	v16 =	vsub.f32 $0.0e+00, v16;
	v53 =	vpop (erf)  }
0x94: {  	v35 =	vadd.f32 $2.000000000e+00, v53  }
0x95: {  	v16 =	vmul.f32 $1.442695020e+00, v16  }
0x96: {  	(erf) = vrcp.f32 v35  }
0x97: {  	v8 =	vld [tilespmem:$0x2E0];
	(erf) = vpow2.f32 v16  }
0x98: {  	v35 =	vld [tilespmem:$0x4E0];
	_ =	sdelay $0x4  }
0x99: {  	v16 =	vmul.f32 v35, v8;
	_ =	sdelay $0x1  }
0x9a: {  	v38 =	vand.u32 $0x7FFFFFFF, v16;
	v37 =	vpop (erf)  }
0x9b: {  	[tilespmem:$0x1FF20] =	vst v43;
	v35 =	vsub.f32 $0.0e+00, v38;
	v43 =	vpop (erf)  }
0x9c: {  	[tilespmem:$0x1FEE0] =	vst v37;
	v37 =	vadd.f32 $2.000000000e+00, v43  }
0x9d: {  	v35 =	vmul.f32 $1.442695020e+00, v35  }
0x9e: {  	(erf) = vrcp.f32 v37  }
0x9f: {  	v3 =	vld [tilespmem:$0x4F0];
	(erf) = vpow2.f32 v35  }
0xa0: {  	v41 =	vld [tilespmem:$0x2F0];
	_ =	sdelay $0x4  }
0xa1: {  	v37 =	vmul.f32 v3, v41;
	_ =	sdelay $0x1  }
0xa2: {  	v35 =	vand.u32 $0x7FFFFFFF, v37;
	v4 =	vpop (erf)  }
0xa3: {  	v35 =	vsub.f32 $0.0e+00, v35;
	v40 =	vpop (erf)  }
0xa4: {  	v38 =	vadd.f32 $2.000000000e+00, v40  }
0xa5: {  	v35 =	vmul.f32 $1.442695020e+00, v35  }
0xa6: {  	(erf) = vrcp.f32 v38  }
0xa7: {  	[tilespmem:$0x1FF50] =	vst v5;
	v5 =	vld [tilespmem:$0x300];
	(erf) = vpow2.f32 v35  }
0xa8: {  	v6 =	vld [tilespmem:$0x500];
	_ =	sdelay $0x4  }
0xa9: {  	v38 =	vmul.f32 v6, v5;
	_ =	sdelay $0x1  }
0xaa: {  	[tilespmem:$0x1FED0] =	vst v7;
	v35 =	vand.u32 $0x7FFFFFFF, v38;
	v7 =	vpop (erf)  }
0xab: {  	[tilespmem:$0x1FF80] =	vst v41;
	v35 =	vsub.f32 $0.0e+00, v35;
	v41 =	vpop (erf)  }
0xac: {  	[tilespmem:$0x1FF70] =	vst v8;
	v8 =	vadd.f32 $2.000000000e+00, v41  }
0xad: {  	v35 =	vmul.f32 $1.442695020e+00, v35  }
0xae: {  	(erf) = vrcp.f32 v8  }
0xaf: {  	[tilespmem:$0x1FEF0] =	vst v4;
	v4 =	vld [tilespmem:$0x310];
	(erf) = vpow2.f32 v35  }
0xb0: {  	[tilespmem:$0x1FF90] =	vst v5;
	v5 =	vld [tilespmem:$0x510];
	_ =	sdelay $0x4  }
0xb1: {  	v0 =	vmul.f32 v5, v4;
	_ =	sdelay $0x1  }
0xb2: {  	[tilespmem:$0x1FFA0] =	vst v0;
	v0 =	vand.u32 $0x7FFFFFFF, v0;
	v6 =	vpop (erf)  }
0xb3: {  	[tilespmem:$0x1FF00] =	vst v7;
	v7 =	vsub.f32 $0.0e+00, v0;
	v35 =	vpop (erf)  }
0xb4: {  	v8 =	vadd.f32 $2.000000000e+00, v35  }
0xb5: {  	v1 =	vmul.f32 $1.442695020e+00, v7  }
0xb6: {  	(erf) = vrcp.f32 v8  }
0xb7: {  	v0 =	vld [tilespmem:$0x520];
	(erf) = vpow2.f32 v1  }
0xb8: {  	v1 =	vld [tilespmem:$0x320];
	_ =	sdelay $0x3  }
0xb9: {  	v7 =	vmul.f32 v44, v33  }
0xba: {  	[tilespmem:$0x1FFD0] =	vst v1;
	v1 =	vmul.f32 v0, v1  }
0xbb: {  	v0 =	vmul.f32 v7, v7  }
0xbc: {  	v10 =	vmul.f32 v10, v34;
	[tilespmem:$0x1FFB0] =	vst v4;
	v4 =	vand.u32 $0x7FFFFFFF, v1;
	v44 =	vpop (erf)  }
0xbd: {  	v8 =	vmul.f32 v2, v11;
	v34 =	vmul.f32 $1.818181870e-01, v0;
	v5 =	vsub.f32 $0.0e+00, v4;
	v33 =	vpop (erf)  }
0xbe: {  	[tilespmem:$0x1FFC0] =	vst v1;
	v4 =	vadd.f32 $2.000000000e+00, v33  }
0xbf: {  	v1 =	vmul.f32 v8, v8;
	[tilespmem:$0x1FF30] =	vst v44;
	v44 =	vadd.f32 $2.222222240e-01, v34;
	v5 =	vmul.f32 $1.442695020e+00, v5  }
0xc0: {  	v34 =	vmul.f32 v10, v10;
	(erf) = vrcp.f32 v4  }
0xc1: {  	v11 =	vmul.f32 v44, v0;
	v4 =	vld [tilespmem:$0x530];
	(erf) = vpow2.f32 v5  }
0xc2: {  	v44 =	vmul.f32 $1.818181870e-01, v34;
	v5 =	vld [tilespmem:$0x330]  }
0xc3: {  	[tilespmem:$0x1FF10] =	vst v6;
	v6 =	vmul.f32 $1.818181870e-01, v1;
	v11 =	vadd.f32 $2.857142980e-01, v11  }
0xc4: {  	v44 =	vadd.f32 $2.222222240e-01, v44  }
0xc5: {  	v2 =	vadd.f32 $2.222222240e-01, v6;
	v11 =	vmul.f32 v11, v0  }
0xc6: {  	v6 =	vmul.f32 v44, v34  }
0xc7: {  	v2 =	vmul.f32 v2, v1;
	v44 =	vmul.f32 v4, v5  }
0xc8: {  	vm0 =	veq.f32 v36, $0.0e+00;
	vm1 =	veq.f32 v19, $0.0e+00;
	v3 =	vadd.f32 $2.857142980e-01, v6;
	[tilespmem:$0x1FFE0] =	vst v5  }
0xc9: {  	v4 =	vadd.f32 $4.000000060e-01, v11;
	v5 =	vadd.f32 $2.857142980e-01, v2;
	v6 =	vand.u32 $0x7FFFFFFF, v44;
	v11 =	vpop (erf)  }
0xca: {  	vm2 =	veq.f32 v20, $0.0e+00;
	v3 =	vmul.f32 v3, v34;
	v6 =	vsub.f32 $0.0e+00, v6;
	[tilespmem:$0x1FF40] =	vst v11;
	v11 =	vpop (erf)  }
0xcb: {  	v4 =	vmul.f32 v4, v0;
	v5 =	vmul.f32 v5, v1;
	v2 =	vadd.f32 $2.000000000e+00, v11  }
0xcc: {  	vm11 =	veq.f32 v26, $0.0e+00;
	v3 =	vadd.f32 $4.000000060e-01, v3;
	v6 =	vmul.f32 $1.442695020e+00, v6  }
0xcd: {  	(erf) = vrcp.f32 v2;
	v2 =	vadd.f32 $6.666666860e-01, v4;
	v4 =	vadd.f32 $4.000000060e-01, v5  }
0xce: {  	vm12 =	veq.f32 v46, $0.0e+00;
	v3 =	vmul.f32 v3, v34;
	(erf) = vpow2.f32 v6  }
0xcf: {  	vm13 =	veq.f32 v28, $0.0e+00;
	v5 =	vld [tilespmem:$0x340];
	v0 =	vmul.f32 v2, v0;
	v2 =	vmul.f32 v4, v1  }
0xd0: {  	vm14 =	veq.f32 v42, $0.0e+00;
	v22 =	vmul.f32 v22, v12;
	v3 =	vadd.f32 $6.666666860e-01, v3;
	v4 =	vld [tilespmem:$0x540]  }
0xd1: {  	vm15 =	veq.f32 v29, $0.0e+00;
	vm4 =	veq.f32 v32, $0.0e+00;
	v2 =	vadd.f32 $6.666666860e-01, v2  }
0xd2: {  	v6 =	vmul.f32 v22, v22;
	v3 =	vmul.f32 v3, v34;
	v0 =	vadd.f32 $2.000000000e+00, v0  }
0xd3: {  	v18 =	vmin.f32 v18, $0.0e+00;
	v23 =	vmin.f32 v23, $0.0e+00;
	v1 =	vmul.f32 v2, v1  }
0xd4: {  	v12 =	vmul.f32 $1.818181870e-01, v6;
	v3 =	vadd.f32 $2.000000000e+00, v3;
	v0 =	vmul.f32 v0, v7  }
0xd5: {  	v9 =	vmul.f32 v21, v9;
	v34 =	vmul.f32 v4, v5;
	v1 =	vadd.f32 $2.000000000e+00, v1  }
0xd6: {  	v2 =	vmul.f32 v3, v10;
	v0 =	vsub.f32 v18, v0;
	v18 =	vadd.f32 $2.222222240e-01, v12  }
0xd7: {  	v7 =	vmul.f32 v25, v15;
	v10 =	vpop (erf);
	v12 =	vand.u32 $0x7FFFFFFF, v34;
	v1 =	vmul.f32 v1, v8  }
0xd8: {  	v4 =	vsub.f32 $0.0e+00, v12;
	v36 =	vpop (erf);
	v3 =	vmul.f32 v18, v6;
	v8 =	vmul.f32 v24, v13  }
0xd9: {  	v21 =	vmin.f32 v50, $0.0e+00;
	[tilespmem:$0x1FF60] =	vst v10;
	v10 =	vmul.f32 v7, v7;
	v18 =	vadd.f32 $2.000000000e+00, v36  }
0xda: {  	v4 =	vmul.f32 $1.442695020e+00, v4;
	v3 =	vadd.f32 $2.857142980e-01, v3;
	v12 =	vmul.f32 v8, v8  }
0xdb: {  	v15 =	vmin.f32 v52, $0.0e+00;
	(erf) = vrcp.f32 v18;
	v18 =	vmul.f32 v9, v9  }
0xdc: {  	v2 =	vsub.f32 v15, v2;
	(erf) = vpow2.f32 v4;
	v3 =	vmul.f32 v3, v6  }
0xdd: {  	v52 =	vld [tilespmem:$0x550];
	v0 =	vadd.f32 $0.0e+00, v0;
	v24 =	vmul.f32 $1.818181870e-01, v10;
	v25 =	vmul.f32 $1.818181870e-01, v12  }
0xde: {  	v1 =	vsub.f32 v21, v1;
	v4 =	vld [tilespmem:$0x350];
	v50 =	vmul.f32 $1.818181870e-01, v18;
	v3 =	vadd.f32 $4.000000060e-01, v3  }
0xdf: {  	v2 =	vsel vm1, $0x0, v2;
	v13 =	vadd.f32 $2.222222240e-01, v24;
	v15 =	vadd.f32 $2.222222240e-01, v25  }
0xe0: {  	v0 =	vsel vm0, $0x0, v0;
	v19 =	vadd.f32 $2.222222240e-01, v50;
	v3 =	vmul.f32 v3, v6  }
0xe1: {  	v0 =	vadd.f32 v2, v0;
	v13 =	vmul.f32 v13, v10;
	v24 =	vmul.f32 v15, v12  }
0xe2: {  	v1 =	vsel vm2, $0x0, v1;
	v19 =	vmul.f32 v19, v18;
	v3 =	vadd.f32 $6.666666860e-01, v3  }
0xe3: {  	v13 =	vadd.f32 $2.857142980e-01, v13;
	v15 =	vmul.f32 v52, v4;
	v25 =	vadd.f32 $2.857142980e-01, v24  }
0xe4: {  	v0 =	vadd.f32 v1, v0;
	v21 =	vadd.f32 $2.857142980e-01, v19;
	v52 =	vpop (erf);
	v2 =	vmul.f32 v3, v6  }
0xe5: {  	v3 =	vmul.f32 v13, v10;
	v1 =	vmul.f32 v25, v12;
	v25 =	vand.u32 $0x7FFFFFFF, v15;
	v50 =	vpop (erf)  }
0xe6: {  	v14 =	vmul.f32 v14, v63;
	v19 =	vsub.f32 $0.0e+00, v25;
	v24 =	vadd.f32 $2.000000000e+00, v50  }
0xe7: {  	v6 =	vmul.f32 v21, v18;
	v3 =	vadd.f32 $4.000000060e-01, v3;
	v1 =	vadd.f32 $4.000000060e-01, v1  }
0xe8: {  	v2 =	vadd.f32 $2.000000000e+00, v2;
	v21 =	vmul.f32 $1.442695020e+00, v19;
	v19 =	vmul.f32 v14, v14  }
0xe9: {  	v63 =	vmin.f32 v51, $0.0e+00;
	(erf) = vrcp.f32 v24;
	v3 =	vmul.f32 v3, v10  }
0xea: {  	v13 =	vld [tilespmem:$0x360];
	v6 =	vadd.f32 $4.000000060e-01, v6;
	v1 =	vmul.f32 v1, v12;
	v2 =	vmul.f32 v2, v22  }
0xeb: {  	v24 =	vld [tilespmem:$0x560];
	(erf) = vpow2.f32 v21;
	v22 =	vmul.f32 $1.818181870e-01, v19;
	v3 =	vadd.f32 $6.666666860e-01, v3  }
0xec: {  	v6 =	vmul.f32 v6, v18;
	v21 =	vmin.f32 v47, $0.0e+00;
	v1 =	vadd.f32 $6.666666860e-01, v1  }
0xed: {  	[tilespmem:$0x1FFF0] =	vst v5;
	v2 =	vsub.f32 v23, v2;
	v5 =	vadd.f32 $2.222222240e-01, v22;
	v3 =	vmul.f32 v3, v10  }
0xee: {  	v23 =	vmin.f32 v48, $0.0e+00;
	v6 =	vadd.f32 $6.666666860e-01, v6;
	v1 =	vmul.f32 v1, v12  }
0xef: {  	v2 =	vsel vm11, $0x0, v2;
	v5 =	vmul.f32 v5, v19;
	v3 =	vadd.f32 $2.000000000e+00, v3  }
0xf0: {  	v6 =	vmul.f32 v6, v18;
	v0 =	vadd.f32 v2, v0;
	v20 =	vmul.f32 v24, v13  }
0xf1: {  	v1 =	vadd.f32 $2.000000000e+00, v1;
	v5 =	vadd.f32 $2.857142980e-01, v5;
	v25 =	vmul.f32 v3, v7  }
0xf2: {  	v26 =	vadd.f32 $2.000000000e+00, v6;
	v6 =	vmul.f32 v61, v59;
	v18 =	vand.u32 $0x7FFFFFFF, v20  }
0xf3: {  	v1 =	vmul.f32 v1, v8;
	v5 =	vmul.f32 v5, v19;
	v2 =	vsub.f32 v63, v25  }
0xf4: {  	v7 =	vmul.f32 v62, v60;
	v3 =	vmul.f32 v26, v9;
	v9 =	vsub.f32 $0.0e+00, v18  }
0xf5: {  	v51 =	vpop (erf);
	v1 =	vsub.f32 v21, v1;
	v5 =	vadd.f32 $4.000000060e-01, v5;
	v2 =	vsel vm12, $0x0, v2  }
0xf6: {  	v48 =	vld [tilespmem:$0x1FEC0];
	v46 =	vpop (erf);
	v10 =	vmul.f32 v7, v7;
	v0 =	vadd.f32 v2, v0;
	v2 =	vmul.f32 v6, v6  }
0xf7: {  	v12 =	vadd.f32 $2.000000000e+00, v46;
	v9 =	vmul.f32 $1.442695020e+00, v9;
	v5 =	vmul.f32 v5, v19  }
0xf8: {  	vm5 =	veq.f32 v45, $0.0e+00;
	v24 =	vmul.f32 $1.818181870e-01, v10;
	v22 =	vmul.f32 $1.818181870e-01, v2  }
0xf9: {  	v1 =	vsel vm13, $0x0, v1;
	(erf) = vrcp.f32 v12;
	v5 =	vadd.f32 $6.666666860e-01, v5  }
0xfa: {  	v25 =	vld [tilespmem:$0x570];
	(erf) = vpow2.f32 v9;
	v9 =	vadd.f32 $2.222222240e-01, v24;
	v8 =	vadd.f32 $2.222222240e-01, v22  }
0xfb: {  	v0 =	vadd.f32 v1, v0;
	v1 =	vmul.f32 v48, v56;
	v5 =	vmul.f32 v5, v19;
	v19 =	vld [tilespmem:$0x370]  }
0xfc: {  	vm6 =	veq.f32 v49, $0.0e+00;
	v3 =	vsub.f32 v23, v3;
	v8 =	vmul.f32 v8, v2  }
0xfd: {  	v47 =	vmul.f32 v9, v10;
	v12 =	vmul.f32 v1, v1;
	v28 =	vadd.f32 $2.000000000e+00, v5  }
0xfe: {  	vm7 =	veq.f32 v58, $0.0e+00;
	v62 =	vld [tilespmem:$0x1FED0];
	v26 =	vsel vm14, $0x0, v3;
	v42 =	vadd.f32 $2.857142980e-01, v8  }
0xff: {  	v59 =	vmul.f32 $1.818181870e-01, v12;
	v3 =	vmul.f32 v28, v14;
	v8 =	vadd.f32 $2.857142980e-01, v47  }
0x100: {  	v56 =	vmin.f32 v27, $0.0e+00;
	v23 =	vmul.f32 v25, v19;
	v5 =	vmul.f32 v42, v2  }
0x101: {  	v0 =	vadd.f32 v26, v0;
	v9 =	vadd.f32 $2.222222240e-01, v59;
	v8 =	vmul.f32 v8, v10  }
0x102: {  	v47 =	vpop (erf);
	v3 =	vsub.f32 v56, v3;
	v61 =	vand.u32 $0x7FFFFFFF, v23;
	v5 =	vadd.f32 $4.000000060e-01, v5  }
0x103: {  	v21 =	vmul.f32 v62, v54;
	v54 =	vld [tilespmem:$0x1FEE0];
	v42 =	vpop (erf);
	v8 =	vadd.f32 $4.000000060e-01, v8;
	v18 =	vsub.f32 $0.0e+00, v61  }
0x104: {  	v9 =	vmul.f32 v9, v12;
	v60 =	vadd.f32 $2.000000000e+00, v42;
	v5 =	vmul.f32 v5, v2  }
0x105: {  	v48 =	vld [tilespmem:$0x580];
	v3 =	vsel vm15, $0x0, v3;
	v8 =	vmul.f32 v8, v10;
	v63 =	vmul.f32 $1.442695020e+00, v18  }
0x106: {  	v26 =	vld [tilespmem:$0x380];
	v28 =	vadd.f32 $2.857142980e-01, v9;
	v18 =	vmul.f32 v21, v21;
	(erf) = vrcp.f32 v60  }
0x107: {  	v0 =	vadd.f32 v3, v0;
	v5 =	vadd.f32 $6.666666860e-01, v5;
	(erf) = vpow2.f32 v63  }
0x108: {  	v3 =	vmul.f32 v54, v53;
	v22 =	vadd.f32 $6.666666860e-01, v8;
	v29 =	vmul.f32 $1.818181870e-01, v18  }
0x109: {  	v25 =	vmin.f32 v30, $0.0e+00;
	v8 =	vmul.f32 v28, v12;
	v2 =	vmul.f32 v5, v2  }
0x10a: {  	v5 =	vmul.f32 v22, v10;
	v9 =	vadd.f32 $2.222222240e-01, v29;
	v10 =	vmul.f32 v3, v3  }
0x10b: {  	v56 =	vmin.f32 v31, $0.0e+00;
	v31 =	vmul.f32 v48, v26;
	v8 =	vadd.f32 $4.000000060e-01, v8  }
0x10c: {  	v2 =	vadd.f32 $2.000000000e+00, v2;
	v9 =	vmul.f32 v9, v18;
	v59 =	vmul.f32 $1.818181870e-01, v10  }
0x10d: {  	v62 =	vand.u32 $0x7FFFFFFF, v31;
	v5 =	vadd.f32 $2.000000000e+00, v5;
	v60 =	vmul.f32 v8, v12  }
0x10e: {  	v2 =	vmul.f32 v2, v6;
	v61 =	vadd.f32 $2.857142980e-01, v9;
	v6 =	vadd.f32 $2.222222240e-01, v59  }
0x10f: {  	v30 =	vld [tilespmem:$0x1FEF0];
	v5 =	vmul.f32 v5, v7;
	v7 =	vadd.f32 $6.666666860e-01, v60;
	v9 =	vsub.f32 $0.0e+00, v62;
	v48 =	vpop (erf)  }
0x110: {  	v62 =	vld [tilespmem:$0x1FF10];
	v2 =	vsub.f32 v56, v2;
	v8 =	vmul.f32 v61, v18;
	v6 =	vmul.f32 v6, v10;
	v32 =	vpop (erf)  }
0x111: {  	v28 =	vld [tilespmem:$0x590];
	v22 =	vmul.f32 v7, v12;
	v24 =	vmul.f32 $1.442695020e+00, v9;
	v63 =	vadd.f32 $2.000000000e+00, v32  }
0x112: {  	v5 =	vsub.f32 v25, v5;
	v56 =	vld [tilespmem:$0x1FF00];
	v2 =	vsel vm4, $0x0, v2;
	v8 =	vadd.f32 $4.000000060e-01, v8  }
0x113: {  	v29 =	vld [tilespmem:$0x390];
	v6 =	vadd.f32 $2.857142980e-01, v6;
	v0 =	vadd.f32 v2, v0;
	(erf) = vrcp.f32 v63  }
0x114: {  	v2 =	vadd.f32 $2.000000000e+00, v22;
	v27 =	vmul.f32 v8, v18;
	(erf) = vpow2.f32 v24  }
0x115: {  	v5 =	vsel vm5, $0x0, v5;
	v6 =	vmul.f32 v6, v10;
	v8 =	vmul.f32 v62, v41  }
0x116: {  	v1 =	vmul.f32 v2, v1;
	v2 =	vmul.f32 v30, v43;
	v5 =	vadd.f32 v5, v0  }
0x117: {  	v43 =	vmin.f32 v39, $0.0e+00;
	v12 =	vmul.f32 v56, v40;
	v7 =	vadd.f32 $6.666666860e-01, v27  }
0x118: {  	v6 =	vadd.f32 $4.000000060e-01, v6;
	v27 =	vmul.f32 v28, v29;
	v0 =	vsub.f32 v43, v1  }
0x119: {  	v49 =	vmin.f32 v57, $0.0e+00;
	v24 =	vmul.f32 v8, v8;
	v9 =	vmul.f32 v2, v2  }
0x11a: {  	v16 =	vmin.f32 v16, $0.0e+00;
	v25 =	vld [tilespmem:$0x3A0];
	v14 =	vmul.f32 v12, v12;
	v6 =	vmul.f32 v6, v10  }
0x11b: {  	v37 =	vmin.f32 v37, $0.0e+00;
	v40 =	vld [tilespmem:$0x5A0];
	v45 =	vmul.f32 v7, v18;
	v53 =	vmul.f32 $1.818181870e-01, v9  }
0x11c: {  	v59 =	vand.u32 $0x7FFFFFFF, v27;
	v54 =	vsel vm6, $0x0, v0;
	v6 =	vadd.f32 $6.666666860e-01, v6;
	v0 =	vpop (erf)  }
0x11d: {  	v41 =	vmul.f32 $1.818181870e-01, v24;
	v60 =	vsub.f32 $0.0e+00, v59;
	v7 =	vadd.f32 $2.222222240e-01, v53;
	v28 =	vpop (erf)  }
0x11e: {  	v63 =	vmul.f32 $1.818181870e-01, v14;
	v6 =	vmul.f32 v6, v10;
	v61 =	vadd.f32 $2.000000000e+00, v28  }
0x11f: {  	v30 =	vmin.f32 v55, $0.0e+00;
	v10 =	vmul.f32 $1.442695020e+00, v60;
	v7 =	vmul.f32 v7, v9  }
0x120: {  	v1 =	vadd.f32 $2.000000000e+00, v45;
	v22 =	vmul.f32 v40, v25;
	(erf) = vrcp.f32 v61  }
0x121: {  	v39 =	vadd.f32 $2.222222240e-01, v63;
	v7 =	vadd.f32 $2.857142980e-01, v7;
	(erf) = vpow2.f32 v10  }
0x122: {  	v56 =	vld [tilespmem:$0x1FF30];
	v5 =	vadd.f32 v54, v5;
	v45 =	vadd.f32 $2.222222240e-01, v41;
	v1 =	vmul.f32 v1, v21  }
0x123: {  	v54 =	vld [tilespmem:$0x1FF20];
	v57 =	vand.u32 $0x7FFFFFFF, v22;
	v7 =	vmul.f32 v7, v9;
	v10 =	vmul.f32 v39, v14  }
0x124: {  	v53 =	vmul.f32 v45, v24;
	v59 =	vsub.f32 $0.0e+00, v57;
	v1 =	vsub.f32 v30, v1  }
0x125: {  	v44 =	vmin.f32 v44, $0.0e+00;
	v45 =	vld [tilespmem:$0x1FF50];
	v7 =	vadd.f32 $4.000000060e-01, v7;
	v10 =	vadd.f32 $2.857142980e-01, v10  }
0x126: {  	v34 =	vmin.f32 v34, $0.0e+00;
	v6 =	vadd.f32 $2.000000000e+00, v6;
	v55 =	vadd.f32 $2.857142980e-01, v53  }
0x127: {  	v1 =	vsel vm7, $0x0, v1;
	v7 =	vmul.f32 v7, v9;
	v10 =	vmul.f32 v10, v14  }
0x128: {  	v30 =	vmul.f32 v56, v35;
	vm8 =	veq.f32 v54, $0.0e+00;
	v43 =	vmul.f32 v6, v3  }
0x129: {  	v41 =	vld [tilespmem:$0x1FF40];
	v18 =	vmul.f32 v55, v24;
	v7 =	vadd.f32 $6.666666860e-01, v7;
	v58 =	vadd.f32 $4.000000060e-01, v10;
	v3 =	vpop (erf)  }
0x12a: {  	v21 =	vld [tilespmem:$0x3B0];
	v35 =	vmul.f32 v30, v30;
	v5 =	vadd.f32 v1, v5;
	vm9 =	veq.f32 v45, $0.0e+00;
	v1 =	vpop (erf)  }
0x12b: {  	v39 =	vld [tilespmem:$0x5B0];
	v7 =	vmul.f32 v7, v9;
	v9 =	vmul.f32 v58, v14;
	v60 =	vadd.f32 $2.000000000e+00, v1  }
0x12c: {  	v18 =	vadd.f32 $4.000000060e-01, v18;
	v61 =	vmul.f32 $1.818181870e-01, v35;
	v10 =	vmul.f32 $1.442695020e+00, v59  }
0x12d: {  	v6 =	vsub.f32 v49, v43;
	v9 =	vadd.f32 $6.666666860e-01, v9;
	(erf) = vrcp.f32 v60  }
0x12e: {  	v62 =	vmul.f32 v18, v24;
	v63 =	vadd.f32 $2.222222240e-01, v61;
	(erf) = vpow2.f32 v10  }
0x12f: {  	v7 =	vadd.f32 $2.000000000e+00, v7;
	v40 =	vmul.f32 v9, v14;
	v9 =	vmul.f32 v41, v33  }
0x130: {  	v43 =	vmin.f32 v17, $0.0e+00;
	v17 =	vmul.f32 v39, v21;
	v10 =	vmul.f32 v63, v35  }
0x131: {  	v61 =	vld [tilespmem:$0x1FF60];
	v2 =	vmul.f32 v7, v2;
	v7 =	vadd.f32 $6.666666860e-01, v62;
	v14 =	vmul.f32 v9, v9  }
0x132: {  	v6 =	vsel vm8, $0x0, v6;
	v57 =	vand.u32 $0x7FFFFFFF, v17;
	v10 =	vadd.f32 $2.857142980e-01, v10  }
0x133: {  	v7 =	vmul.f32 v7, v24;
	v24 =	vsub.f32 $0.0e+00, v57;
	v49 =	vmul.f32 $1.818181870e-01, v14  }
0x134: {  	v5 =	vadd.f32 v6, v5;
	v6 =	vadd.f32 $2.000000000e+00, v40;
	v54 =	vmul.f32 v10, v35  }
0x135: {  	v2 =	vsub.f32 v43, v2;
	v60 =	vmul.f32 $1.442695020e+00, v24;
	v56 =	vadd.f32 $2.222222240e-01, v49  }
0x136: {  	v24 =	vmul.f32 v61, v11;
	v53 =	vmul.f32 v6, v12;
	v6 =	vadd.f32 $4.000000060e-01, v54;
	v18 =	vpop (erf)  }
0x137: {  	v62 =	vld [tilespmem:$0x1FF70];
	v2 =	vsel vm9, $0x0, v2;
	v55 =	vadd.f32 $2.000000000e+00, v7;
	v58 =	vmul.f32 v56, v14;
	v7 =	vpop (erf)  }
0x138: {  	v63 =	vmul.f32 v24, v24;
	v6 =	vmul.f32 v6, v35;
	v59 =	vadd.f32 $2.000000000e+00, v7  }
0x139: {  	v20 =	vmin.f32 v20, $0.0e+00;
	v2 =	vadd.f32 v2, v5;
	v10 =	vadd.f32 $2.857142980e-01, v58  }
0x13a: {  	v40 =	vmul.f32 $1.818181870e-01, v63;
	v6 =	vadd.f32 $6.666666860e-01, v6;
	(erf) = vrcp.f32 v59  }
0x13b: {  	v41 =	vld [tilespmem:$0x5C0];
	v5 =	vsub.f32 v16, v53;
	v10 =	vmul.f32 v10, v14;
	(erf) = vpow2.f32 v60  }
0x13c: {  	v11 =	vld [tilespmem:$0x3C0];
	vm10 =	veq.f32 v62, $0.0e+00;
	v8 =	vmul.f32 v55, v8;
	v6 =	vmul.f32 v6, v35  }
0x13d: {  	v43 =	vld [tilespmem:$0x1FF80];
	v5 =	vsel vm10, $0x0, v5;
	v39 =	vadd.f32 $4.000000060e-01, v10;
	v10 =	vadd.f32 $2.222222240e-01, v40  }
0x13e: {  	v2 =	vadd.f32 v5, v2;
	v35 =	vmul.f32 v52, v36;
	v6 =	vadd.f32 $2.000000000e+00, v6  }
0x13f: {  	v5 =	vsub.f32 v37, v8;
	v8 =	vmul.f32 v39, v14;
	v52 =	vmul.f32 v10, v63  }
0x140: {  	v31 =	vmin.f32 v31, $0.0e+00;
	v45 =	vmul.f32 v6, v30;
	v6 =	vmul.f32 v35, v35  }
0x141: {  	v10 =	vmul.f32 v41, v11;
	v8 =	vadd.f32 $6.666666860e-01, v8;
	v54 =	vadd.f32 $2.857142980e-01, v52  }
0x142: {  	vm11 =	veq.f32 v43, $0.0e+00;
	v30 =	vmul.f32 v51, v50;
	v53 =	vmul.f32 $1.818181870e-01, v6  }
0x143: {  	v56 =	vand.u32 $0x7FFFFFFF, v10;
	v8 =	vmul.f32 v8, v14;
	v14 =	vmul.f32 v54, v63;
	v16 =	vpop (erf)  }
0x144: {  	v49 =	vmin.f32 v38, $0.0e+00;
	v38 =	vsub.f32 $0.0e+00, v56;
	v36 =	vadd.f32 $2.222222240e-01, v53;
	v12 =	vpop (erf)  }
0x145: {  	v57 =	vld [tilespmem:$0x1FF90];
	v39 =	vmul.f32 v30, v30;
	v14 =	vadd.f32 $4.000000060e-01, v14;
	v55 =	vadd.f32 $2.000000000e+00, v12  }
0x146: {  	v5 =	vsel vm11, $0x0, v5;
	v38 =	vmul.f32 $1.442695020e+00, v38;
	v36 =	vmul.f32 v36, v6  }
0x147: {  	v61 =	vld [tilespmem:$0x5D0];
	v2 =	vadd.f32 v5, v2;
	v14 =	vmul.f32 v14, v63;
	(erf) = vrcp.f32 v55  }
0x148: {  	v62 =	vld [tilespmem:$0x1FFA0];
	v5 =	vsub.f32 v49, v45;
	v36 =	vadd.f32 $2.857142980e-01, v36;
	(erf) = vpow2.f32 v38  }
0x149: {  	v58 =	vmul.f32 $1.818181870e-01, v39;
	v59 =	vadd.f32 $2.000000000e+00, v8;
	v8 =	vld [tilespmem:$0x3D0];
	v14 =	vadd.f32 $6.666666860e-01, v14  }
0x14a: {  	v42 =	vmul.f32 v48, v42;
	vm12 =	veq.f32 v57, $0.0e+00;
	v45 =	vld [tilespmem:$0x1FFB0];
	v60 =	vmul.f32 v36, v6  }
0x14b: {  	v5 =	vsel vm12, $0x0, v5;
	v37 =	vadd.f32 $2.222222240e-01, v58;
	v14 =	vmul.f32 v14, v63  }
0x14c: {  	v2 =	vadd.f32 v5, v2;
	v9 =	vmul.f32 v59, v9;
	v5 =	vadd.f32 $4.000000060e-01, v60  }
0x14d: {  	v57 =	vld [tilespmem:$0x1FFC0];
	v37 =	vmul.f32 v37, v39;
	v38 =	vmul.f32 v47, v46;
	v14 =	vadd.f32 $2.000000000e+00, v14  }
0x14e: {  	v40 =	vmin.f32 v62, $0.0e+00;
	v46 =	vmul.f32 v5, v6;
	v5 =	vmul.f32 v61, v8  }
0x14f: {  	vm5 =	veq.f32 v4, $0.0e+00;
	vm13 =	veq.f32 v45, $0.0e+00;
	v9 =	vsub.f32 v40, v9  }
0x150: {  	v63 =	vadd.f32 $2.857142980e-01, v37;
	v50 =	vmul.f32 v14, v24;
	v51 =	vand.u32 $0x7FFFFFFF, v5;
	v24 =	vpop (erf)  }
0x151: {  	v58 =	vmul.f32 v42, v42;
	v9 =	vsel vm13, $0x0, v9;
	v53 =	vsub.f32 $0.0e+00, v51;
	v14 =	vpop (erf)  }
0x152: {  	v37 =	vmin.f32 v57, $0.0e+00;
	v33 =	vmul.f32 v63, v39;
	v54 =	vadd.f32 $2.000000000e+00, v14  }
0x153: {  	v40 =	vmul.f32 v38, v38;
	v63 =	vld [tilespmem:$0x1FFD0];
	v47 =	vadd.f32 $6.666666860e-01, v46;
	v56 =	vmul.f32 $1.442695020e+00, v53  }
0x154: {  	v61 =	vmul.f32 $1.818181870e-01, v58;
	v33 =	vadd.f32 $4.000000060e-01, v33;
	(erf) = vrcp.f32 v54  }
0x155: {  	v62 =	vld [tilespmem:$0x5E0];
	v9 =	vadd.f32 v9, v2;
	v6 =	vmul.f32 v47, v6;
	(erf) = vpow2.f32 v56  }
0x156: {  	v2 =	vld [tilespmem:$0x3E0];
	v49 =	vmul.f32 $1.818181870e-01, v40;
	v33 =	vmul.f32 v33, v39;
	v60 =	vsub.f32 v37, v50  }
0x157: {  	vm6 =	veq.f32 v13, $0.0e+00;
	v37 =	vadd.f32 $2.222222240e-01, v61;
	v6 =	vadd.f32 $2.000000000e+00, v6  }
0x158: {  	v52 =	vadd.f32 $2.222222240e-01, v49;
	vm14 =	veq.f32 v63, $0.0e+00;
	v33 =	vadd.f32 $6.666666860e-01, v33  }
0x159: {  	v36 =	vsel vm14, $0x0, v60;
	v37 =	vmul.f32 v37, v58;
	v6 =	vmul.f32 v6, v35  }
0x15a: {  	v22 =	vmin.f32 v22, $0.0e+00;
	v55 =	vmul.f32 v52, v40;
	v9 =	vadd.f32 v36, v9  }
0x15b: {  	v33 =	vmul.f32 v33, v39;
	v36 =	vsub.f32 v44, v6;
	v6 =	vmul.f32 v62, v2  }
0x15c: {  	v32 =	vmul.f32 v0, v32;
	vm7 =	veq.f32 v19, $0.0e+00;
	v59 =	vadd.f32 $2.857142980e-01, v55  }
0x15d: {  	v47 =	vadd.f32 $2.857142980e-01, v37;
	v33 =	vadd.f32 $2.000000000e+00, v33;
	v48 =	vand.u32 $0x7FFFFFFF, v6;
	v37 =	vpop (erf)  }
0x15e: {  	vm8 =	veq.f32 v26, $0.0e+00;
	v46 =	vld [tilespmem:$0x1FFE0];
	v43 =	vmul.f32 v59, v40;
	v49 =	vsub.f32 $0.0e+00, v48;
	v41 =	vpop (erf)  }
0x15f: {  	v51 =	vld [tilespmem:$0x1FFF0];
	v30 =	vmul.f32 v33, v30;
	v33 =	vmul.f32 v47, v58;
	v50 =	vadd.f32 $2.000000000e+00, v41  }
0x160: {  	v3 =	vmul.f32 v3, v28;
	v35 =	vadd.f32 $4.000000060e-01, v43;
	v0 =	vmul.f32 $1.442695020e+00, v49  }
0x161: {  	v18 =	vmul.f32 v18, v1;
	v33 =	vadd.f32 $4.000000060e-01, v33;
	(erf) = vrcp.f32 v50  }
0x162: {  	vm9 =	veq.f32 v29, $0.0e+00;
	v56 =	vld [tilespmem:$0x5F0];
	v35 =	vmul.f32 v35, v40;
	(erf) = vpow2.f32 v0  }
0x163: {  	vm15 =	veq.f32 v46, $0.0e+00;
	v39 =	vmul.f32 v32, v32;
	v52 =	vmul.f32 v33, v58;
	v0 =	vld [tilespmem:$0x3F0]  }
0x164: {  	vm4 =	veq.f32 v51, $0.0e+00;
	v36 =	vsel vm15, $0x0, v36;
	v35 =	vadd.f32 $6.666666860e-01, v35  }
0x165: {  	v30 =	vsub.f32 v34, v30;
	v34 =	vmul.f32 v3, v3;
	v28 =	vadd.f32 $6.666666860e-01, v52  }
0x166: {  	v54 =	vmul.f32 $1.818181870e-01, v39;
	v9 =	vadd.f32 v36, v9;
	v35 =	vmul.f32 v35, v40  }
0x167: {  	v55 =	vmul.f32 $1.818181870e-01, v34;
	v30 =	vsel vm4, $0x0, v30;
	v28 =	vmul.f32 v28, v58  }
0x168: {  	v9 =	vadd.f32 v30, v9;
	v53 =	vadd.f32 $2.000000000e+00, v35;
	v1 =	vmul.f32 v56, v0  }
0x169: {  	v7 =	vmul.f32 v16, v7;
	v57 =	vadd.f32 $2.222222240e-01, v55;
	v28 =	vadd.f32 $2.000000000e+00, v28  }
0x16a: {  	v35 =	vadd.f32 $2.222222240e-01, v54;
	v33 =	vmul.f32 v53, v38;
	v62 =	vand.u32 $0x7FFFFFFF, v1;
	v38 =	vpop (erf)  }
0x16b: {  	v60 =	vmul.f32 v57, v34;
	v28 =	vmul.f32 v28, v42;
	v40 =	vsub.f32 $0.0e+00, v62;
	v42 =	vpop (erf)  }
0x16c: {  	v59 =	vmul.f32 v35, v39;
	v35 =	vmul.f32 v18, v18;
	v63 =	vadd.f32 $2.000000000e+00, v42  }
0x16d: {  	v58 =	vmin.f32 v15, $0.0e+00;
	v30 =	vadd.f32 $2.857142980e-01, v60;
	v44 =	vmul.f32 $1.442695020e+00, v40  }
0x16e: {  	v15 =	vadd.f32 $2.857142980e-01, v59;
	v61 =	vmul.f32 $1.818181870e-01, v35;
	(erf) = vrcp.f32 v63  }
0x16f: {  	vm10 =	veq.f32 v25, $0.0e+00;
	v30 =	vmul.f32 v30, v34;
	(erf) = vpow2.f32 v44  }
0x170: {  	v47 =	vmul.f32 v7, v7;
	v15 =	vmul.f32 v15, v39;
	v36 =	vadd.f32 $2.222222240e-01, v61  }
0x171: {  	vm11 =	veq.f32 v21, $0.0e+00;
	v10 =	vmin.f32 v10, $0.0e+00;
	v30 =	vadd.f32 $4.000000060e-01, v30  }
0x172: {  	v50 =	vmul.f32 $1.818181870e-01, v47;
	v15 =	vadd.f32 $4.000000060e-01, v15;
	v36 =	vmul.f32 v36, v35  }
0x173: {  	v12 =	vmul.f32 v24, v12;
	v33 =	vsub.f32 v58, v33;
	v45 =	vmul.f32 v30, v34  }
0x174: {  	v55 =	vadd.f32 $2.222222240e-01, v50;
	v15 =	vmul.f32 v15, v39;
	v46 =	vadd.f32 $2.857142980e-01, v36  }
0x175: {  	v14 =	vmul.f32 v37, v14;
	v48 =	vsub.f32 v20, v28;
	v16 =	vadd.f32 $6.666666860e-01, v45  }
0x176: {  	v20 =	vmul.f32 v55, v47;
	v15 =	vadd.f32 $6.666666860e-01, v15;
	v49 =	vmul.f32 v46, v35  }
0x177: {  	v37 =	vmin.f32 v27, $0.0e+00;
	v51 =	vsel vm5, $0x0, v33;
	v53 =	vmul.f32 v16, v34;
	v56 =	vpop (erf)  }
0x178: {  	v59 =	vadd.f32 $2.857142980e-01, v20;
	v52 =	vmul.f32 v15, v39;
	v54 =	vadd.f32 $4.000000060e-01, v49;
	v60 =	vpop (erf)  }
0x179: {  	v61 =	vmin.f32 v23, $0.0e+00;
	v15 =	vadd.f32 $2.000000000e+00, v53;
	v62 =	vadd.f32 $2.000000000e+00, v60  }
0x17a: {  	v33 =	vmul.f32 v38, v41;
	v13 =	vadd.f32 $2.000000000e+00, v52;
	v16 =	vmul.f32 v54, v35  }
0x17b: {  	v9 =	vadd.f32 v51, v9;
	v3 =	vmul.f32 v15, v3;
	(erf) = vrcp.f32 v62  }
0x17c: {  	v4 =	vsel vm6, $0x0, v48;
	v15 =	vmul.f32 v59, v47;
	v57 =	vmul.f32 v13, v32  }
0x17d: {  	v4 =	vadd.f32 v4, v9;
	v63 =	vmul.f32 v12, v12;
	v58 =	vadd.f32 $6.666666860e-01, v16  }
0x17e: {  	v38 =	vmul.f32 v33, v33;
	v15 =	vadd.f32 $4.000000060e-01, v15;
	v9 =	vsub.f32 v61, v57  }
0x17f: {  	v32 =	vmul.f32 $1.818181870e-01, v63;
	v3 =	vsub.f32 v31, v3;
	v13 =	vmul.f32 v58, v35  }
0x180: {  	v35 =	vmul.f32 v14, v14;
	v15 =	vmul.f32 v15, v47;
	v9 =	vsel vm7, $0x0, v9  }
0x181: {  	v40 =	vmul.f32 $1.818181870e-01, v38;
	v13 =	vadd.f32 $2.000000000e+00, v13;
	v4 =	vadd.f32 v9, v4  }
0x182: {  	v39 =	vmul.f32 $1.818181870e-01, v35;
	v9 =	vadd.f32 $2.222222240e-01, v32;
	v15 =	vadd.f32 $6.666666860e-01, v15  }
0x183: {  	v43 =	vadd.f32 $2.222222240e-01, v40;
	v13 =	vmul.f32 v13, v18;
	v41 =	vmul.f32 v56, v42  }
0x184: {  	v20 =	vadd.f32 $2.222222240e-01, v39;
	v34 =	vmul.f32 v9, v63;
	v15 =	vmul.f32 v15, v47;
	v42 =	vpop (erf)  }
0x185: {  	v3 =	vsel vm8, $0x0, v3;
	v44 =	vmul.f32 v41, v41;
	v16 =	vmul.f32 v42, v60  }
0x186: {  	v3 =	vadd.f32 v3, v4;
	v20 =	vmul.f32 v20, v35;
	v15 =	vadd.f32 $2.000000000e+00, v15  }
0x187: {  	v4 =	vadd.f32 $2.857142980e-01, v34;
	v45 =	vmul.f32 $1.818181870e-01, v44;
	v27 =	vmul.f32 v16, v16  }
0x188: {  	v20 =	vadd.f32 $2.857142980e-01, v20;
	v7 =	vmul.f32 v15, v7;
	v15 =	vmul.f32 v43, v38  }
0x189: {  	v4 =	vmul.f32 v4, v63;
	v28 =	vadd.f32 $2.222222240e-01, v45;
	v46 =	vmul.f32 $1.818181870e-01, v27  }
0x18a: {  	v13 =	vsub.f32 v37, v13;
	v20 =	vmul.f32 v20, v35;
	v15 =	vadd.f32 $2.857142980e-01, v15  }
0x18b: {  	v4 =	vadd.f32 $4.000000060e-01, v4;
	v48 =	vmul.f32 v28, v44;
	v29 =	vadd.f32 $2.222222240e-01, v46  }
0x18c: {  	v13 =	vsel vm9, $0x0, v13;
	v49 =	vadd.f32 $4.000000060e-01, v20;
	v47 =	vmul.f32 v15, v38  }
0x18d: {  	v4 =	vmul.f32 v4, v63;
	v15 =	vadd.f32 $2.857142980e-01, v48;
	v50 =	vmul.f32 v29, v27  }
0x18e: {  	v3 =	vadd.f32 v13, v3;
	v19 =	vmul.f32 v49, v35;
	v13 =	vadd.f32 $4.000000060e-01, v47  }
0x18f: {  	v4 =	vadd.f32 $6.666666860e-01, v4;
	v15 =	vmul.f32 v15, v44;
	v20 =	vadd.f32 $2.857142980e-01, v50  }
0x190: {  	v56 =	vmin.f32 v17, $0.0e+00;
	v19 =	vadd.f32 $6.666666860e-01, v19;
	v13 =	vmul.f32 v13, v38  }
0x191: {  	v4 =	vmul.f32 v4, v63;
	v52 =	vadd.f32 $4.000000060e-01, v15;
	v20 =	vmul.f32 v20, v27  }
0x192: {  	v7 =	vsub.f32 v22, v7;
	v9 =	vmul.f32 v19, v35;
	v51 =	vadd.f32 $6.666666860e-01, v13  }
0x193: {  	v4 =	vadd.f32 $2.000000000e+00, v4;
	v55 =	vmul.f32 v52, v44;
	v53 =	vadd.f32 $4.000000060e-01, v20  }
0x194: {  	v7 =	vsel vm10, $0x0, v7;
	v9 =	vadd.f32 $2.000000000e+00, v9;
	v54 =	vmul.f32 v51, v38  }
0x195: {  	v4 =	vmul.f32 v4, v12;
	v12 =	vadd.f32 $6.666666860e-01, v55;
	v15 =	vmul.f32 v53, v27  }
0x196: {  	v3 =	vadd.f32 v7, v3;
	v9 =	vmul.f32 v9, v14;
	v7 =	vadd.f32 $2.000000000e+00, v54  }
0x197: {  	v4 =	vsub.f32 v56, v4;
	v12 =	vmul.f32 v12, v44;
	v57 =	vadd.f32 $6.666666860e-01, v15  }
0x198: {  	vm12 =	veq.f32 v11, $0.0e+00;
	v9 =	vsub.f32 v10, v9;
	v7 =	vmul.f32 v7, v33  }
0x199: {  	v4 =	vsel vm11, $0x0, v4;
	v12 =	vadd.f32 $2.000000000e+00, v12;
	v58 =	vmul.f32 v57, v27  }
0x19a: {  	v5 =	vmin.f32 v5, $0.0e+00;
	v3 =	vadd.f32 v4, v3;
	v61 =	vsel vm12, $0x0, v9  }
0x19b: {  	v59 =	vsub.f32 v5, v7;
	v60 =	vmul.f32 v12, v41;
	v62 =	vadd.f32 $2.000000000e+00, v58  }
0x19c: {  	vm13 =	veq.f32 v8, $0.0e+00;
	v6 =	vmin.f32 v6, $0.0e+00;
	v3 =	vadd.f32 v61, v3  }
0x19d: {  	v4 =	vsel vm13, $0x0, v59;
	v5 =	vsub.f32 v6, v60;
	v63 =	vmul.f32 v62, v16  }
0x19e: {  	vm14 =	veq.f32 v2, $0.0e+00;
	v1 =	vmin.f32 v1, $0.0e+00;
	v3 =	vadd.f32 v4, v3  }
0x19f: {  	v2 =	vsel vm14, $0x0, v5;
	v1 =	vsub.f32 v1, v63  }
0x1a0: {  	vm15 =	veq.f32 v0, $0.0e+00;
	v2 =	vadd.f32 v2, v3  }
0x1a1: {  	v0 =	vsel vm15, $0x0, v1  }
0x1a2: {  	v0 =	vadd.f32 v0, v2  }
0x1a3: {  	p0 =	sne.s32 s7, $0x1  }
.Ltmp0:
0x1a4: {  	[tilespmem:$0x600] =	vst v0;
	(pc) =	sbr.rel @p0 .LBB2_1-.Ltmp0, $4  }
0x1a5: {  	[hbm4b:s6+s2] =	stream.linear.scatter [tilespmem:s17], [sflag:$0x2], $0x10, $0x38;
	[tilespmem:$0x610] =	vst v63  }
0x1a6: {  	_ =	swait.ge [sflag:s18], $0x10  }
0x1a7: {  	[sflag:s18] =	ssyncset.done $0x0  }
0x1a8: {  	s7 =	sadd.s32 $0xFFFFFFFF, s7;
	[sflag:s18] =	ssyncadd.s32 $0xFFFFFFF0  }
0x1a9: {  	_ =	sfence.sel $0x180000  }
0x1aa: {  	[bflag:$0x0] =	sbarrier.arrive $0xFFFF  }
0x1ab: {  	p0 =	sne.s32 s1, $0x0;
	_ =	strace $0x90000047  }
0x1ac: {  	s0 =	sadd.s32 @!p0 $0x100000, s0;
	[bflag:$0x2] =	sbarrier.arrive $0xFFFF  }
0x1ad: {  	[sflag:s0] =	ssyncadd.tile.s32 @!p0 $0x1;
	_ =	shalt  }
.Lfunc_end2:
_tile_overlayer_lowered:
.L_overlay_start_2:
0x1ae: {  	(tag) =	ssettag $0x2  }
0x1af: {  	s0 =	rddreg [dreg:$0x0];
	s2 =	stileid.u32  }
0x1b0: {  	s1 =	rddreg [dreg:$0x1];
	p0 =	sne.s32 s2, $0x0  }
0x1b1: {  	s3 =	rddreg [dreg:$0x2];
	[bflag:$0x3] =	sbarrier.arrive $0xFFFF;
	s2 =	simm.s32 @!p0 $0x1C02  }
0x1b2: {  	[timem:s3], [sflag:s2] =	dma.local @!p0 [hbm:s0], s1  }
0x1b3: {  	s0 =	simm.s32 @!p0 $0x2  }
0x1b4: {  	_ =	swait.ge @!p0 [sflag:s0], s1  }
0x1b5: {  	s1 =	ssub.s32 @!p0 $0x0, s1;
	[sflag:s0] =	ssyncset.done @!p0 $0x0  }
0x1b6: {  	[sflag:s0] =	ssyncadd.s32 @!p0 s1  }
0x1b7: {  	[bflag:$0x3] =	sbarrier.arrive $0xFFFF  }
0x1b8: {  	_ =	shalt  }

</sc_bundles>
